<compile_context>
chip_gen: v7x
topology: tpu7x:2x2x1
jax: 0.10.2.dev20260603
libtpu: 0.0.44.dev20260713+nightly
codegen_flags: <defaults>
</compile_context>

<pallas_src>
import jax
import jax.numpy as jnp
from jax import lax
from jax.experimental import pallas as pl
from jax.experimental.pallas import tpu as pltpu
from jax.experimental.pallas import tpu_sc as plsc

N_STATIC = 4096
MAX_D = 512
NUM_BUCKETS = 2 * MAX_D - 1
GW = 2 * N_STATIC
NC, NS, L = 2, 16, 16
NW = NC * NS
SLABS_PER_W = N_STATIC // 8 // NW
MID_LO, MID_HI = 3456, 4736


def _sc_body(t_hbm, out_hbm, t_vmem, g2_vmem, sem):
    wid = lax.axis_index("s") * NC + lax.axis_index("c")
    a = wid % 16
    b = wid // 16
    off = 127 - 8 * a
    pltpu.sync_copy(t_hbm, t_vmem.at[pl.ds(8, NUM_BUCKETS)])

    lanes = lax.broadcasted_iota(jnp.int32, (L,), 0)
    vhi = plsc.load_gather(
        t_vmem, [jnp.minimum(lanes + (NUM_BUCKETS - 1 + 8), NUM_BUCKETS - 1 + 8)])
    vlo = plsc.load_gather(t_vmem, [jnp.minimum(lanes + 8, 8)])

    for r in range(8):
        @plsc.parallel_loop(0, (MID_HI - MID_LO) // L, unroll=4)
        def _mid(c, _r=r):
            q = MID_LO + c * L + lax.broadcasted_iota(jnp.int32, (L,), 0)
            d = jnp.clip((N_STATIC - 1) - (q + off) + _r,
                         -(MAX_D - 1), MAX_D - 1)
            g2_vmem[_r, pl.ds(MID_LO + c * L, L)] = plsc.load_gather(
                t_vmem, [d + (MAX_D - 1 + 8)])

    base_a = jnp.where(b == 0, MID_HI, 0)
    trip_a = jnp.where(b == 0, (8064 - MID_HI) // L, MID_LO // L)
    val_a = jnp.where(b == 0, vlo, vhi)
    base_b2 = jnp.where(b == 0, 2048, MID_HI)
    trip_b2 = jnp.where(b == 0, (MID_LO - 2048) // L, (6016 - MID_HI) // L)
    val_b2 = jnp.where(b == 0, vhi, vlo)

    for r in range(8):
        @plsc.parallel_loop(0, trip_a, unroll=8)
        def _fill_a(c, _r=r):
            g2_vmem[_r, pl.ds(base_a + c * L, L)] = val_a

    def _slab_copy(mm):
        m = b * 16 + mm
        k = 16 * m + a
        s_m = pl.multiple_of(3968 - 128 * m, 128)
        return pltpu.make_async_copy(
            g2_vmem.at[:, pl.ds(s_m, N_STATIC)],
            out_hbm.at[pl.ds(pl.multiple_of(8 * k, 8), 8), :],
            sem)

    def early(j, carry):
        _slab_copy(jnp.where(b == 0, j, 11 + j)).start()
        return carry

    lax.fori_loop(0, 5, early, 0)

    for r in range(8):
        @plsc.parallel_loop(0, trip_b2, unroll=8)
        def _fill_b(c, _r=r):
            g2_vmem[_r, pl.ds(base_b2 + c * L, L)] = val_b2

    def late(j, carry):
        _slab_copy(jnp.where(b == 0, 5 + j, j)).start()
        _slab_copy(0).wait()
        return carry

    lax.fori_loop(0, 11, late, 0)

    def drain(j, carry):
        _slab_copy(0).wait()
        return carry

    lax.fori_loop(0, 5, drain, 0)


@jax.jit
def _rel_pos_bias(t):
    kern = pl.kernel(
        _sc_body,
        out_type=jax.ShapeDtypeStruct((N_STATIC, N_STATIC), jnp.float32),
        mesh=plsc.VectorSubcoreMesh(core_axis_name="c", subcore_axis_name="s"),
        scratch_types=[
            pltpu.VMEM((1040,), jnp.float32),
            pltpu.VMEM((8, GW), jnp.float32),
            pltpu.SemaphoreType.DMA,
        ],
        compiler_params=pltpu.CompilerParams(needs_layout_passes=False),
    )
    return kern(t)


def kernel(N, emb_weight):
    return _rel_pos_bias(emb_weight.reshape(-1))

# --- scband reference (transcript-rebuilt; emitter-appended) ---
"""Pipeline reference for scband-rel-pos-bias1-d-42253888258143 (READ-ONLY COPY).

The authoritative reference and input builder live on the scoring server;
editing this copy changes nothing except your own understanding.
"""

import jax, jax.numpy as jnp
import numpy as np

MAX_DISTANCE = 512
NUM_BUCKETS = 2 * MAX_DISTANCE - 1

def setup_inputs(seed: int = 0) -> dict:
    key = jax.random.key(seed)
    emb_weight = jax.random.normal(key, (NUM_BUCKETS, 1), dtype=jnp.float32) * 1e-4
    return {"N": 4096, "emb_weight": emb_weight}

def reference(N, emb_weight):
    N_STATIC = 4096
    if N_STATIC <= 1:
        return jnp.zeros((N_STATIC, N_STATIC), dtype=jnp.float32) + (N - N_STATIC)
    idx = jnp.arange(N_STATIC) + (N - N_STATIC)
    rel = idx[:, None] - idx[None, :]
    rel = jnp.clip(rel, -MAX_DISTANCE + 1, MAX_DISTANCE - 1)
    rel_bucket = rel + (MAX_DISTANCE - 1)
    bias = jnp.take(emb_weight, rel_bucket, axis=0)
    return jnp.squeeze(bias, axis=-1).astype(jnp.float32)

if __name__ == "__main__":
    import jax
    _d = setup_inputs()
    print(jax.jit(kernel)(*tuple(_d.values())))

</pallas_src>

<mosaic_0001>
#map = affine_map<(d0, d1) -> (0)>
#map1 = affine_map<(d0, d1) -> (0, 0)>
module attributes {stable_mosaic.version = 14 : i64} {
  func.func @_sc_body(%arg0: i32, %arg1: i32, %arg2: memref<1023xf32, #tpu.memory_space<hbm>>, %arg3: memref<4096x4096xf32, #tpu.memory_space<hbm>>, %arg4: memref<1040xf32, #tpu.memory_space<vmem>>, %arg5: memref<8x8192xf32, #tpu.memory_space<vmem>>, %arg6: memref<!tpu.dma_semaphore, #tpu.memory_space<semaphore_mem>>) attributes {dimension_semantics = [#tpu.dimension_semantics<core_parallel>, #tpu.dimension_semantics<subcore_parallel>], iteration_bounds = array<i64: 2, 16>, scalar_prefetch = 0 : i64, scratch_operands = 3 : i64, tpu.core_type = #tpu.core_type<sc_vector_subcore>, window_params = [{transform_indices = #map}, {transform_indices = #map1}]} {
    %mul3A = arith.constant 2 : i32
    %mul3A_0 = arith.muli %arg1, %mul3A : i32
    %add3A = arith.addi %mul3A_0, %arg0 : i32
    %jit3A = arith.constant 16 : i32
    %eq3A = arith.constant 0 : i32
    %eq3A_1 = arith.cmpi eq, %jit3A, %eq3A : i32
    %jit3A_2 = arith.constant 1 : i32
    %select_n3A = arith.select %eq3A_1, %jit3A_2, %jit3A : i32
    %rem3A = arith.remsi %add3A, %select_n3A : i32
    %ne3A = arith.constant 0 : i32
    %ne3A_3 = arith.cmpi ne, %rem3A, %ne3A : i32
    %lt3A = arith.constant 0 : i32
    %lt3A_4 = arith.cmpi slt, %rem3A, %lt3A : i32
    %lt3A_5 = arith.constant 0 : i32
    %lt3A_6 = arith.cmpi slt, %select_n3A, %lt3A_5 : i32
    %ne3A_7 = arith.xori %lt3A_4, %lt3A_6 : i1
    %and3A = arith.andi %ne3A_7, %ne3A_3 : i1
    %add3A_8 = arith.addi %rem3A, %select_n3A : i32
    %select_n3A_9 = arith.select %and3A, %add3A_8, %rem3A : i32
    %jit3A_10 = arith.constant 16 : i32
    %div3A = arith.divsi %add3A, %jit3A_10 : i32
    %sign3A = arith.constant 0 : i32
    %sign3A_11 = arith.cmpi sgt, %add3A, %sign3A : i32
    %sign3A_12 = arith.extui %sign3A_11 : i1 to i32
    %sign3A_13 = arith.constant 0 : i32
    %sign3A_14 = arith.cmpi slt, %add3A, %sign3A_13 : i32
    %sign3A_15 = arith.extui %sign3A_14 : i1 to i32
    %sign3A_16 = arith.subi %sign3A_12, %sign3A_15 : i32
    %sign3A_17 = arith.constant 0 : i32
    %sign3A_18 = arith.cmpi sgt, %jit3A_10, %sign3A_17 : i32
    %sign3A_19 = arith.extui %sign3A_18 : i1 to i32
    %sign3A_20 = arith.constant 0 : i32
    %sign3A_21 = arith.cmpi slt, %jit3A_10, %sign3A_20 : i32
    %sign3A_22 = arith.extui %sign3A_21 : i1 to i32
    %sign3A_23 = arith.subi %sign3A_19, %sign3A_22 : i32
    %ne3A_24 = arith.cmpi ne, %sign3A_16, %sign3A_23 : i32
    %rem3A_25 = arith.remsi %add3A, %jit3A_10 : i32
    %ne3A_26 = arith.constant 0 : i32
    %ne3A_27 = arith.cmpi ne, %rem3A_25, %ne3A_26 : i32
    %and3A_28 = arith.andi %ne3A_24, %ne3A_27 : i1
    %sub3A = arith.constant 1 : i32
    %sub3A_29 = arith.subi %div3A, %sub3A : i32
    %select_n3A_30 = arith.select %and3A_28, %sub3A_29, %div3A : i32
    %mul3A_31 = arith.constant 8 : i32
    %mul3A_32 = arith.muli %mul3A_31, %select_n3A_9 : i32
    %sub3A_33 = arith.constant 127 : i32
    %sub3A_34 = arith.subi %sub3A_33, %mul3A_32 : i32
    "tpu.region"() ({
      %run_scoped3A = tpu.sem_alloc : memref<!tpu.dma_semaphore, #tpu.memory_space<semaphore_mem>>
      %dma_start3A = arith.constant 8 : i32
      %dma_start3A_145 = tpu.memref_slice %arg4[%dma_start3A] : memref<1040xf32, #tpu.memory_space<vmem>> -> memref<1023xf32, #tpu.memory_space<vmem>>
      %dma_start3A_146 = arith.constant 8 : i32
      %dma_start3A_147 = tpu.memref_slice %arg4[%dma_start3A_146] : memref<1040xf32, #tpu.memory_space<vmem>> -> memref<1023xf32, #tpu.memory_space<vmem>>
      tpu.enqueue_dma source(%arg2 : memref<1023xf32, #tpu.memory_space<hbm>>) target(%dma_start3A_147 : memref<1023xf32, #tpu.memory_space<vmem>>) target_semaphore(%run_scoped3A : memref<!tpu.dma_semaphore, #tpu.memory_space<semaphore_mem>>)
      %dma_wait3A = arith.constant 8 : i32
      %dma_wait3A_148 = tpu.memref_slice %arg4[%dma_wait3A] : memref<1040xf32, #tpu.memory_space<vmem>> -> memref<1023xf32, #tpu.memory_space<vmem>>
      %dma_wait3A_149 = arith.constant 8 : i32
      %dma_wait3A_150 = tpu.memref_slice %arg4[%dma_wait3A_149] : memref<1040xf32, #tpu.memory_space<vmem>> -> memref<1023xf32, #tpu.memory_space<vmem>>
      tpu.wait_dma2 semaphore(%run_scoped3A : memref<!tpu.dma_semaphore, #tpu.memory_space<semaphore_mem>>) src(%arg2 : memref<1023xf32, #tpu.memory_space<hbm>>) dst(%dma_wait3A_150 : memref<1023xf32, #tpu.memory_space<vmem>>)
      tpu.yield
    }) : () -> ()
    %iota3A = tpu.iota {dimensions = array<i32: 0>} : vector<16xi32>
    %add3A_35 = arith.constant 1030 : i32
    %add3A_36 = vector.broadcast %add3A_35 : i32 to vector<16xi32>
    %add3A_37 = arith.addi %iota3A, %add3A_36 : vector<16xi32>
    %min3A = arith.constant 1030 : i32
    %min3A_38 = vector.broadcast %min3A : i32 to vector<16xi32>
    %min3A_39 = arith.minsi %add3A_37, %min3A_38 : vector<16xi32>
    %gather3A = tpu.vector_load_idx %arg4[%min3A_39] : memref<1040xf32, #tpu.memory_space<vmem>>[vector<16xi32>], vector<16xf32>,
    %add3A_40 = arith.constant 8 : i32
    %add3A_41 = vector.broadcast %add3A_40 : i32 to vector<16xi32>
    %add3A_42 = arith.addi %iota3A, %add3A_41 : vector<16xi32>
    %min3A_43 = arith.constant 8 : i32
    %min3A_44 = vector.broadcast %min3A_43 : i32 to vector<16xi32>
    %min3A_45 = arith.minsi %add3A_42, %min3A_44 : vector<16xi32>
    %gather3A_46 = tpu.vector_load_idx %arg4[%min3A_45] : memref<1040xf32, #tpu.memory_space<vmem>>[vector<16xi32>], vector<16xf32>,
    %parallel_loop3A = arith.constant 0 : i32
    %parallel_loop3A_47 = arith.constant 80 : i32
    %parallel_loop3A_48 = arith.constant 1 : i32
    scf.for %parallel_loop3A_145 = %parallel_loop3A to %parallel_loop3A_47 step %parallel_loop3A_48  : i32 {
      %parallel_loop3A_146 = arith.constant 16 : i32
      %parallel_loop3A_147 = arith.muli %parallel_loop3A_145, %parallel_loop3A_146 : i32
      %parallel_loop3A_148 = arith.constant 3456 : i32
      %parallel_loop3A_149 = arith.addi %parallel_loop3A_148, %parallel_loop3A_147 : i32
      %parallel_loop3A_150 = tpu.iota {dimensions = array<i32: 0>} : vector<16xi32>
      %parallel_loop3A_151 = vector.broadcast %parallel_loop3A_149 : i32 to vector<16xi32>
      %parallel_loop3A_152 = arith.addi %parallel_loop3A_151, %parallel_loop3A_150 : vector<16xi32>
      %parallel_loop3A_153 = vector.broadcast %sub3A_34 : i32 to vector<16xi32>
      %parallel_loop3A_154 = arith.addi %parallel_loop3A_152, %parallel_loop3A_153 : vector<16xi32>
      %parallel_loop3A_155 = arith.constant 4095 : i32
      %parallel_loop3A_156 = vector.broadcast %parallel_loop3A_155 : i32 to vector<16xi32>
      %parallel_loop3A_157 = arith.subi %parallel_loop3A_156, %parallel_loop3A_154 : vector<16xi32>
      %parallel_loop3A_158 = arith.constant 0 : i32
      %parallel_loop3A_159 = vector.broadcast %parallel_loop3A_158 : i32 to vector<16xi32>
      %parallel_loop3A_160 = arith.addi %parallel_loop3A_157, %parallel_loop3A_159 : vector<16xi32>
      %parallel_loop3A_161 = arith.constant -511 : i32
      %parallel_loop3A_162 = arith.constant 511 : i32
      %parallel_loop3A_163 = vector.broadcast %parallel_loop3A_161 : i32 to vector<16xi32>
      %parallel_loop3A_164 = arith.maxsi %parallel_loop3A_163, %parallel_loop3A_160 : vector<16xi32>
      %parallel_loop3A_165 = vector.broadcast %parallel_loop3A_162 : i32 to vector<16xi32>
      %parallel_loop3A_166 = arith.minsi %parallel_loop3A_165, %parallel_loop3A_164 : vector<16xi32>
      %parallel_loop3A_167 = arith.constant 519 : i32
      %parallel_loop3A_168 = vector.broadcast %parallel_loop3A_167 : i32 to vector<16xi32>
      %parallel_loop3A_169 = arith.addi %parallel_loop3A_166, %parallel_loop3A_168 : vector<16xi32>
      %parallel_loop3A_170 = tpu.vector_load_idx %arg4[%parallel_loop3A_169] : memref<1040xf32, #tpu.memory_space<vmem>>[vector<16xi32>], vector<16xf32>,
      %parallel_loop3A_171 = arith.constant 16 : i32
      %parallel_loop3A_172 = arith.muli %parallel_loop3A_145, %parallel_loop3A_171 : i32
      %parallel_loop3A_173 = arith.constant 3456 : i32
      %parallel_loop3A_174 = arith.addi %parallel_loop3A_173, %parallel_loop3A_172 : i32
      %parallel_loop3A_175 = arith.constant 0 : i32
      %parallel_loop3A_176 = arith.index_cast %parallel_loop3A_175 : i32 to index
      %parallel_loop3A_177 = arith.index_cast %parallel_loop3A_174 : i32 to index
      %parallel_loop3A_178 = tpu.vector_load %arg5[%parallel_loop3A_176, %parallel_loop3A_177] {strides = array<i32>} : memref<8x8192xf32, #tpu.memory_space<vmem>>, vector<16xf32>,
      tpu.vector_store %arg5[%parallel_loop3A_176, %parallel_loop3A_177], %parallel_loop3A_170 {strides = array<i32>} : memref<8x8192xf32, #tpu.memory_space<vmem>>, vector<16xf32>,
    } {sc.loop_unroll_factor = 4 : i64, sc.parallel_access}
    %parallel_loop3A_49 = arith.constant 0 : i32
    %parallel_loop3A_50 = arith.constant 80 : i32
    %parallel_loop3A_51 = arith.constant 1 : i32
    scf.for %parallel_loop3A_145 = %parallel_loop3A_49 to %parallel_loop3A_50 step %parallel_loop3A_51  : i32 {
      %parallel_loop3A_146 = arith.constant 16 : i32
      %parallel_loop3A_147 = arith.muli %parallel_loop3A_145, %parallel_loop3A_146 : i32
      %parallel_loop3A_148 = arith.constant 3456 : i32
      %parallel_loop3A_149 = arith.addi %parallel_loop3A_148, %parallel_loop3A_147 : i32
      %parallel_loop3A_150 = tpu.iota {dimensions = array<i32: 0>} : vector<16xi32>
      %parallel_loop3A_151 = vector.broadcast %parallel_loop3A_149 : i32 to vector<16xi32>
      %parallel_loop3A_152 = arith.addi %parallel_loop3A_151, %parallel_loop3A_150 : vector<16xi32>
      %parallel_loop3A_153 = vector.broadcast %sub3A_34 : i32 to vector<16xi32>
      %parallel_loop3A_154 = arith.addi %parallel_loop3A_152, %parallel_loop3A_153 : vector<16xi32>
      %parallel_loop3A_155 = arith.constant 4095 : i32
      %parallel_loop3A_156 = vector.broadcast %parallel_loop3A_155 : i32 to vector<16xi32>
      %parallel_loop3A_157 = arith.subi %parallel_loop3A_156, %parallel_loop3A_154 : vector<16xi32>
      %parallel_loop3A_158 = arith.constant 1 : i32
      %parallel_loop3A_159 = vector.broadcast %parallel_loop3A_158 : i32 to vector<16xi32>
      %parallel_loop3A_160 = arith.addi %parallel_loop3A_157, %parallel_loop3A_159 : vector<16xi32>
      %parallel_loop3A_161 = arith.constant -511 : i32
      %parallel_loop3A_162 = arith.constant 511 : i32
      %parallel_loop3A_163 = vector.broadcast %parallel_loop3A_161 : i32 to vector<16xi32>
      %parallel_loop3A_164 = arith.maxsi %parallel_loop3A_163, %parallel_loop3A_160 : vector<16xi32>
      %parallel_loop3A_165 = vector.broadcast %parallel_loop3A_162 : i32 to vector<16xi32>
      %parallel_loop3A_166 = arith.minsi %parallel_loop3A_165, %parallel_loop3A_164 : vector<16xi32>
      %parallel_loop3A_167 = arith.constant 519 : i32
      %parallel_loop3A_168 = vector.broadcast %parallel_loop3A_167 : i32 to vector<16xi32>
      %parallel_loop3A_169 = arith.addi %parallel_loop3A_166, %parallel_loop3A_168 : vector<16xi32>
      %parallel_loop3A_170 = tpu.vector_load_idx %arg4[%parallel_loop3A_169] : memref<1040xf32, #tpu.memory_space<vmem>>[vector<16xi32>], vector<16xf32>,
      %parallel_loop3A_171 = arith.constant 16 : i32
      %parallel_loop3A_172 = arith.muli %parallel_loop3A_145, %parallel_loop3A_171 : i32
      %parallel_loop3A_173 = arith.constant 3456 : i32
      %parallel_loop3A_174 = arith.addi %parallel_loop3A_173, %parallel_loop3A_172 : i32
      %parallel_loop3A_175 = arith.constant 1 : i32
      %parallel_loop3A_176 = arith.index_cast %parallel_loop3A_175 : i32 to index
      %parallel_loop3A_177 = arith.index_cast %parallel_loop3A_174 : i32 to index
      %parallel_loop3A_178 = tpu.vector_load %arg5[%parallel_loop3A_176, %parallel_loop3A_177] {strides = array<i32>} : memref<8x8192xf32, #tpu.memory_space<vmem>>, vector<16xf32>,
      tpu.vector_store %arg5[%parallel_loop3A_176, %parallel_loop3A_177], %parallel_loop3A_170 {strides = array<i32>} : memref<8x8192xf32, #tpu.memory_space<vmem>>, vector<16xf32>,
    } {sc.loop_unroll_factor = 4 : i64, sc.parallel_access}
    %parallel_loop3A_52 = arith.constant 0 : i32
    %parallel_loop3A_53 = arith.constant 80 : i32
    %parallel_loop3A_54 = arith.constant 1 : i32
    scf.for %parallel_loop3A_145 = %parallel_loop3A_52 to %parallel_loop3A_53 step %parallel_loop3A_54  : i32 {
      %parallel_loop3A_146 = arith.constant 16 : i32
      %parallel_loop3A_147 = arith.muli %parallel_loop3A_145, %parallel_loop3A_146 : i32
      %parallel_loop3A_148 = arith.constant 3456 : i32
      %parallel_loop3A_149 = arith.addi %parallel_loop3A_148, %parallel_loop3A_147 : i32
      %parallel_loop3A_150 = tpu.iota {dimensions = array<i32: 0>} : vector<16xi32>
      %parallel_loop3A_151 = vector.broadcast %parallel_loop3A_149 : i32 to vector<16xi32>
      %parallel_loop3A_152 = arith.addi %parallel_loop3A_151, %parallel_loop3A_150 : vector<16xi32>
      %parallel_loop3A_153 = vector.broadcast %sub3A_34 : i32 to vector<16xi32>
      %parallel_loop3A_154 = arith.addi %parallel_loop3A_152, %parallel_loop3A_153 : vector<16xi32>
      %parallel_loop3A_155 = arith.constant 4095 : i32
      %parallel_loop3A_156 = vector.broadcast %parallel_loop3A_155 : i32 to vector<16xi32>
      %parallel_loop3A_157 = arith.subi %parallel_loop3A_156, %parallel_loop3A_154 : vector<16xi32>
      %parallel_loop3A_158 = arith.constant 2 : i32
      %parallel_loop3A_159 = vector.broadcast %parallel_loop3A_158 : i32 to vector<16xi32>
      %parallel_loop3A_160 = arith.addi %parallel_loop3A_157, %parallel_loop3A_159 : vector<16xi32>
      %parallel_loop3A_161 = arith.constant -511 : i32
      %parallel_loop3A_162 = arith.constant 511 : i32
      %parallel_loop3A_163 = vector.broadcast %parallel_loop3A_161 : i32 to vector<16xi32>
      %parallel_loop3A_164 = arith.maxsi %parallel_loop3A_163, %parallel_loop3A_160 : vector<16xi32>
      %parallel_loop3A_165 = vector.broadcast %parallel_loop3A_162 : i32 to vector<16xi32>
      %parallel_loop3A_166 = arith.minsi %parallel_loop3A_165, %parallel_loop3A_164 : vector<16xi32>
      %parallel_loop3A_167 = arith.constant 519 : i32
      %parallel_loop3A_168 = vector.broadcast %parallel_loop3A_167 : i32 to vector<16xi32>
      %parallel_loop3A_169 = arith.addi %parallel_loop3A_166, %parallel_loop3A_168 : vector<16xi32>
      %parallel_loop3A_170 = tpu.vector_load_idx %arg4[%parallel_loop3A_169] : memref<1040xf32, #tpu.memory_space<vmem>>[vector<16xi32>], vector<16xf32>,
      %parallel_loop3A_171 = arith.constant 16 : i32
      %parallel_loop3A_172 = arith.muli %parallel_loop3A_145, %parallel_loop3A_171 : i32
      %parallel_loop3A_173 = arith.constant 3456 : i32
      %parallel_loop3A_174 = arith.addi %parallel_loop3A_173, %parallel_loop3A_172 : i32
      %parallel_loop3A_175 = arith.constant 2 : i32
      %parallel_loop3A_176 = arith.index_cast %parallel_loop3A_175 : i32 to index
      %parallel_loop3A_177 = arith.index_cast %parallel_loop3A_174 : i32 to index
      %parallel_loop3A_178 = tpu.vector_load %arg5[%parallel_loop3A_176, %parallel_loop3A_177] {strides = array<i32>} : memref<8x8192xf32, #tpu.memory_space<vmem>>, vector<16xf32>,
      tpu.vector_store %arg5[%parallel_loop3A_176, %parallel_loop3A_177], %parallel_loop3A_170 {strides = array<i32>} : memref<8x8192xf32, #tpu.memory_space<vmem>>, vector<16xf32>,
    } {sc.loop_unroll_factor = 4 : i64, sc.parallel_access}
    %parallel_loop3A_55 = arith.constant 0 : i32
    %parallel_loop3A_56 = arith.constant 80 : i32
    %parallel_loop3A_57 = arith.constant 1 : i32
    scf.for %parallel_loop3A_145 = %parallel_loop3A_55 to %parallel_loop3A_56 step %parallel_loop3A_57  : i32 {
      %parallel_loop3A_146 = arith.constant 16 : i32
      %parallel_loop3A_147 = arith.muli %parallel_loop3A_145, %parallel_loop3A_146 : i32
      %parallel_loop3A_148 = arith.constant 3456 : i32
      %parallel_loop3A_149 = arith.addi %parallel_loop3A_148, %parallel_loop3A_147 : i32
      %parallel_loop3A_150 = tpu.iota {dimensions = array<i32: 0>} : vector<16xi32>
      %parallel_loop3A_151 = vector.broadcast %parallel_loop3A_149 : i32 to vector<16xi32>
      %parallel_loop3A_152 = arith.addi %parallel_loop3A_151, %parallel_loop3A_150 : vector<16xi32>
      %parallel_loop3A_153 = vector.broadcast %sub3A_34 : i32 to vector<16xi32>
      %parallel_loop3A_154 = arith.addi %parallel_loop3A_152, %parallel_loop3A_153 : vector<16xi32>
      %parallel_loop3A_155 = arith.constant 4095 : i32
      %parallel_loop3A_156 = vector.broadcast %parallel_loop3A_155 : i32 to vector<16xi32>
      %parallel_loop3A_157 = arith.subi %parallel_loop3A_156, %parallel_loop3A_154 : vector<16xi32>
      %parallel_loop3A_158 = arith.constant 3 : i32
      %parallel_loop3A_159 = vector.broadcast %parallel_loop3A_158 : i32 to vector<16xi32>
      %parallel_loop3A_160 = arith.addi %parallel_loop3A_157, %parallel_loop3A_159 : vector<16xi32>
      %parallel_loop3A_161 = arith.constant -511 : i32
      %parallel_loop3A_162 = arith.constant 511 : i32
      %parallel_loop3A_163 = vector.broadcast %parallel_loop3A_161 : i32 to vector<16xi32>
      %parallel_loop3A_164 = arith.maxsi %parallel_loop3A_163, %parallel_loop3A_160 : vector<16xi32>
      %parallel_loop3A_165 = vector.broadcast %parallel_loop3A_162 : i32 to vector<16xi32>
      %parallel_loop3A_166 = arith.minsi %parallel_loop3A_165, %parallel_loop3A_164 : vector<16xi32>
      %parallel_loop3A_167 = arith.constant 519 : i32
      %parallel_loop3A_168 = vector.broadcast %parallel_loop3A_167 : i32 to vector<16xi32>
      %parallel_loop3A_169 = arith.addi %parallel_loop3A_166, %parallel_loop3A_168 : vector<16xi32>
      %parallel_loop3A_170 = tpu.vector_load_idx %arg4[%parallel_loop3A_169] : memref<1040xf32, #tpu.memory_space<vmem>>[vector<16xi32>], vector<16xf32>,
      %parallel_loop3A_171 = arith.constant 16 : i32
      %parallel_loop3A_172 = arith.muli %parallel_loop3A_145, %parallel_loop3A_171 : i32
      %parallel_loop3A_173 = arith.constant 3456 : i32
      %parallel_loop3A_174 = arith.addi %parallel_loop3A_173, %parallel_loop3A_172 : i32
      %parallel_loop3A_175 = arith.constant 3 : i32
      %parallel_loop3A_176 = arith.index_cast %parallel_loop3A_175 : i32 to index
      %parallel_loop3A_177 = arith.index_cast %parallel_loop3A_174 : i32 to index
      %parallel_loop3A_178 = tpu.vector_load %arg5[%parallel_loop3A_176, %parallel_loop3A_177] {strides = array<i32>} : memref<8x8192xf32, #tpu.memory_space<vmem>>, vector<16xf32>,
      tpu.vector_store %arg5[%parallel_loop3A_176, %parallel_loop3A_177], %parallel_loop3A_170 {strides = array<i32>} : memref<8x8192xf32, #tpu.memory_space<vmem>>, vector<16xf32>,
    } {sc.loop_unroll_factor = 4 : i64, sc.parallel_access}
    %parallel_loop3A_58 = arith.constant 0 : i32
    %parallel_loop3A_59 = arith.constant 80 : i32
    %parallel_loop3A_60 = arith.constant 1 : i32
    scf.for %parallel_loop3A_145 = %parallel_loop3A_58 to %parallel_loop3A_59 step %parallel_loop3A_60  : i32 {
      %parallel_loop3A_146 = arith.constant 16 : i32
      %parallel_loop3A_147 = arith.muli %parallel_loop3A_145, %parallel_loop3A_146 : i32
      %parallel_loop3A_148 = arith.constant 3456 : i32
      %parallel_loop3A_149 = arith.addi %parallel_loop3A_148, %parallel_loop3A_147 : i32
      %parallel_loop3A_150 = tpu.iota {dimensions = array<i32: 0>} : vector<16xi32>
      %parallel_loop3A_151 = vector.broadcast %parallel_loop3A_149 : i32 to vector<16xi32>
      %parallel_loop3A_152 = arith.addi %parallel_loop3A_151, %parallel_loop3A_150 : vector<16xi32>
      %parallel_loop3A_153 = vector.broadcast %sub3A_34 : i32 to vector<16xi32>
      %parallel_loop3A_154 = arith.addi %parallel_loop3A_152, %parallel_loop3A_153 : vector<16xi32>
      %parallel_loop3A_155 = arith.constant 4095 : i32
      %parallel_loop3A_156 = vector.broadcast %parallel_loop3A_155 : i32 to vector<16xi32>
      %parallel_loop3A_157 = arith.subi %parallel_loop3A_156, %parallel_loop3A_154 : vector<16xi32>
      %parallel_loop3A_158 = arith.constant 4 : i32
      %parallel_loop3A_159 = vector.broadcast %parallel_loop3A_158 : i32 to vector<16xi32>
      %parallel_loop3A_160 = arith.addi %parallel_loop3A_157, %parallel_loop3A_159 : vector<16xi32>
      %parallel_loop3A_161 = arith.constant -511 : i32
      %parallel_loop3A_162 = arith.constant 511 : i32
      %parallel_loop3A_163 = vector.broadcast %parallel_loop3A_161 : i32 to vector<16xi32>
      %parallel_loop3A_164 = arith.maxsi %parallel_loop3A_163, %parallel_loop3A_160 : vector<16xi32>
      %parallel_loop3A_165 = vector.broadcast %parallel_loop3A_162 : i32 to vector<16xi32>
      %parallel_loop3A_166 = arith.minsi %parallel_loop3A_165, %parallel_loop3A_164 : vector<16xi32>
      %parallel_loop3A_167 = arith.constant 519 : i32
      %parallel_loop3A_168 = vector.broadcast %parallel_loop3A_167 : i32 to vector<16xi32>
      %parallel_loop3A_169 = arith.addi %parallel_loop3A_166, %parallel_loop3A_168 : vector<16xi32>
      %parallel_loop3A_170 = tpu.vector_load_idx %arg4[%parallel_loop3A_169] : memref<1040xf32, #tpu.memory_space<vmem>>[vector<16xi32>], vector<16xf32>,
      %parallel_loop3A_171 = arith.constant 16 : i32
      %parallel_loop3A_172 = arith.muli %parallel_loop3A_145, %parallel_loop3A_171 : i32
      %parallel_loop3A_173 = arith.constant 3456 : i32
      %parallel_loop3A_174 = arith.addi %parallel_loop3A_173, %parallel_loop3A_172 : i32
      %parallel_loop3A_175 = arith.constant 4 : i32
      %parallel_loop3A_176 = arith.index_cast %parallel_loop3A_175 : i32 to index
      %parallel_loop3A_177 = arith.index_cast %parallel_loop3A_174 : i32 to index
      %parallel_loop3A_178 = tpu.vector_load %arg5[%parallel_loop3A_176, %parallel_loop3A_177] {strides = array<i32>} : memref<8x8192xf32, #tpu.memory_space<vmem>>, vector<16xf32>,
      tpu.vector_store %arg5[%parallel_loop3A_176, %parallel_loop3A_177], %parallel_loop3A_170 {strides = array<i32>} : memref<8x8192xf32, #tpu.memory_space<vmem>>, vector<16xf32>,
    } {sc.loop_unroll_factor = 4 : i64, sc.parallel_access}
    %parallel_loop3A_61 = arith.constant 0 : i32
    %parallel_loop3A_62 = arith.constant 80 : i32
    %parallel_loop3A_63 = arith.constant 1 : i32
    scf.for %parallel_loop3A_145 = %parallel_loop3A_61 to %parallel_loop3A_62 step %parallel_loop3A_63  : i32 {
      %parallel_loop3A_146 = arith.constant 16 : i32
      %parallel_loop3A_147 = arith.muli %parallel_loop3A_145, %parallel_loop3A_146 : i32
      %parallel_loop3A_148 = arith.constant 3456 : i32
      %parallel_loop3A_149 = arith.addi %parallel_loop3A_148, %parallel_loop3A_147 : i32
      %parallel_loop3A_150 = tpu.iota {dimensions = array<i32: 0>} : vector<16xi32>
      %parallel_loop3A_151 = vector.broadcast %parallel_loop3A_149 : i32 to vector<16xi32>
      %parallel_loop3A_152 = arith.addi %parallel_loop3A_151, %parallel_loop3A_150 : vector<16xi32>
      %parallel_loop3A_153 = vector.broadcast %sub3A_34 : i32 to vector<16xi32>
      %parallel_loop3A_154 = arith.addi %parallel_loop3A_152, %parallel_loop3A_153 : vector<16xi32>
      %parallel_loop3A_155 = arith.constant 4095 : i32
      %parallel_loop3A_156 = vector.broadcast %parallel_loop3A_155 : i32 to vector<16xi32>
      %parallel_loop3A_157 = arith.subi %parallel_loop3A_156, %parallel_loop3A_154 : vector<16xi32>
      %parallel_loop3A_158 = arith.constant 5 : i32
      %parallel_loop3A_159 = vector.broadcast %parallel_loop3A_158 : i32 to vector<16xi32>
      %parallel_loop3A_160 = arith.addi %parallel_loop3A_157, %parallel_loop3A_159 : vector<16xi32>
      %parallel_loop3A_161 = arith.constant -511 : i32
      %parallel_loop3A_162 = arith.constant 511 : i32
      %parallel_loop3A_163 = vector.broadcast %parallel_loop3A_161 : i32 to vector<16xi32>
      %parallel_loop3A_164 = arith.maxsi %parallel_loop3A_163, %parallel_loop3A_160 : vector<16xi32>
      %parallel_loop3A_165 = vector.broadcast %parallel_loop3A_162 : i32 to vector<16xi32>
      %parallel_loop3A_166 = arith.minsi %parallel_loop3A_165, %parallel_loop3A_164 : vector<16xi32>
      %parallel_loop3A_167 = arith.constant 519 : i32
      %parallel_loop3A_168 = vector.broadcast %parallel_loop3A_167 : i32 to vector<16xi32>
      %parallel_loop3A_169 = arith.addi %parallel_loop3A_166, %parallel_loop3A_168 : vector<16xi32>
      %parallel_loop3A_170 = tpu.vector_load_idx %arg4[%parallel_loop3A_169] : memref<1040xf32, #tpu.memory_space<vmem>>[vector<16xi32>], vector<16xf32>,
      %parallel_loop3A_171 = arith.constant 16 : i32
      %parallel_loop3A_172 = arith.muli %parallel_loop3A_145, %parallel_loop3A_171 : i32
      %parallel_loop3A_173 = arith.constant 3456 : i32
      %parallel_loop3A_174 = arith.addi %parallel_loop3A_173, %parallel_loop3A_172 : i32
      %parallel_loop3A_175 = arith.constant 5 : i32
      %parallel_loop3A_176 = arith.index_cast %parallel_loop3A_175 : i32 to index
      %parallel_loop3A_177 = arith.index_cast %parallel_loop3A_174 : i32 to index
      %parallel_loop3A_178 = tpu.vector_load %arg5[%parallel_loop3A_176, %parallel_loop3A_177] {strides = array<i32>} : memref<8x8192xf32, #tpu.memory_space<vmem>>, vector<16xf32>,
      tpu.vector_store %arg5[%parallel_loop3A_176, %parallel_loop3A_177], %parallel_loop3A_170 {strides = array<i32>} : memref<8x8192xf32, #tpu.memory_space<vmem>>, vector<16xf32>,
    } {sc.loop_unroll_factor = 4 : i64, sc.parallel_access}
    %parallel_loop3A_64 = arith.constant 0 : i32
    %parallel_loop3A_65 = arith.constant 80 : i32
    %parallel_loop3A_66 = arith.constant 1 : i32
    scf.for %parallel_loop3A_145 = %parallel_loop3A_64 to %parallel_loop3A_65 step %parallel_loop3A_66  : i32 {
      %parallel_loop3A_146 = arith.constant 16 : i32
      %parallel_loop3A_147 = arith.muli %parallel_loop3A_145, %parallel_loop3A_146 : i32
      %parallel_loop3A_148 = arith.constant 3456 : i32
      %parallel_loop3A_149 = arith.addi %parallel_loop3A_148, %parallel_loop3A_147 : i32
      %parallel_loop3A_150 = tpu.iota {dimensions = array<i32: 0>} : vector<16xi32>
      %parallel_loop3A_151 = vector.broadcast %parallel_loop3A_149 : i32 to vector<16xi32>
      %parallel_loop3A_152 = arith.addi %parallel_loop3A_151, %parallel_loop3A_150 : vector<16xi32>
      %parallel_loop3A_153 = vector.broadcast %sub3A_34 : i32 to vector<16xi32>
      %parallel_loop3A_154 = arith.addi %parallel_loop3A_152, %parallel_loop3A_153 : vector<16xi32>
      %parallel_loop3A_155 = arith.constant 4095 : i32
      %parallel_loop3A_156 = vector.broadcast %parallel_loop3A_155 : i32 to vector<16xi32>
      %parallel_loop3A_157 = arith.subi %parallel_loop3A_156, %parallel_loop3A_154 : vector<16xi32>
      %parallel_loop3A_158 = arith.constant 6 : i32
      %parallel_loop3A_159 = vector.broadcast %parallel_loop3A_158 : i32 to vector<16xi32>
      %parallel_loop3A_160 = arith.addi %parallel_loop3A_157, %parallel_loop3A_159 : vector<16xi32>
      %parallel_loop3A_161 = arith.constant -511 : i32
      %parallel_loop3A_162 = arith.constant 511 : i32
      %parallel_loop3A_163 = vector.broadcast %parallel_loop3A_161 : i32 to vector<16xi32>
      %parallel_loop3A_164 = arith.maxsi %parallel_loop3A_163, %parallel_loop3A_160 : vector<16xi32>
      %parallel_loop3A_165 = vector.broadcast %parallel_loop3A_162 : i32 to vector<16xi32>
      %parallel_loop3A_166 = arith.minsi %parallel_loop3A_165, %parallel_loop3A_164 : vector<16xi32>
      %parallel_loop3A_167 = arith.constant 519 : i32
      %parallel_loop3A_168 = vector.broadcast %parallel_loop3A_167 : i32 to vector<16xi32>
      %parallel_loop3A_169 = arith.addi %parallel_loop3A_166, %parallel_loop3A_168 : vector<16xi32>
      %parallel_loop3A_170 = tpu.vector_load_idx %arg4[%parallel_loop3A_169] : memref<1040xf32, #tpu.memory_space<vmem>>[vector<16xi32>], vector<16xf32>,
      %parallel_loop3A_171 = arith.constant 16 : i32
      %parallel_loop3A_172 = arith.muli %parallel_loop3A_145, %parallel_loop3A_171 : i32
      %parallel_loop3A_173 = arith.constant 3456 : i32
      %parallel_loop3A_174 = arith.addi %parallel_loop3A_173, %parallel_loop3A_172 : i32
      %parallel_loop3A_175 = arith.constant 6 : i32
      %parallel_loop3A_176 = arith.index_cast %parallel_loop3A_175 : i32 to index
      %parallel_loop3A_177 = arith.index_cast %parallel_loop3A_174 : i32 to index
      %parallel_loop3A_178 = tpu.vector_load %arg5[%parallel_loop3A_176, %parallel_loop3A_177] {strides = array<i32>} : memref<8x8192xf32, #tpu.memory_space<vmem>>, vector<16xf32>,
      tpu.vector_store %arg5[%parallel_loop3A_176, %parallel_loop3A_177], %parallel_loop3A_170 {strides = array<i32>} : memref<8x8192xf32, #tpu.memory_space<vmem>>, vector<16xf32>,
    } {sc.loop_unroll_factor = 4 : i64, sc.parallel_access}
    %parallel_loop3A_67 = arith.constant 0 : i32
    %parallel_loop3A_68 = arith.constant 80 : i32
    %parallel_loop3A_69 = arith.constant 1 : i32
    scf.for %parallel_loop3A_145 = %parallel_loop3A_67 to %parallel_loop3A_68 step %parallel_loop3A_69  : i32 {
      %parallel_loop3A_146 = arith.constant 16 : i32
      %parallel_loop3A_147 = arith.muli %parallel_loop3A_145, %parallel_loop3A_146 : i32
      %parallel_loop3A_148 = arith.constant 3456 : i32
      %parallel_loop3A_149 = arith.addi %parallel_loop3A_148, %parallel_loop3A_147 : i32
      %parallel_loop3A_150 = tpu.iota {dimensions = array<i32: 0>} : vector<16xi32>
      %parallel_loop3A_151 = vector.broadcast %parallel_loop3A_149 : i32 to vector<16xi32>
      %parallel_loop3A_152 = arith.addi %parallel_loop3A_151, %parallel_loop3A_150 : vector<16xi32>
      %parallel_loop3A_153 = vector.broadcast %sub3A_34 : i32 to vector<16xi32>
      %parallel_loop3A_154 = arith.addi %parallel_loop3A_152, %parallel_loop3A_153 : vector<16xi32>
      %parallel_loop3A_155 = arith.constant 4095 : i32
      %parallel_loop3A_156 = vector.broadcast %parallel_loop3A_155 : i32 to vector<16xi32>
      %parallel_loop3A_157 = arith.subi %parallel_loop3A_156, %parallel_loop3A_154 : vector<16xi32>
      %parallel_loop3A_158 = arith.constant 7 : i32
      %parallel_loop3A_159 = vector.broadcast %parallel_loop3A_158 : i32 to vector<16xi32>
      %parallel_loop3A_160 = arith.addi %parallel_loop3A_157, %parallel_loop3A_159 : vector<16xi32>
      %parallel_loop3A_161 = arith.constant -511 : i32
      %parallel_loop3A_162 = arith.constant 511 : i32
      %parallel_loop3A_163 = vector.broadcast %parallel_loop3A_161 : i32 to vector<16xi32>
      %parallel_loop3A_164 = arith.maxsi %parallel_loop3A_163, %parallel_loop3A_160 : vector<16xi32>
      %parallel_loop3A_165 = vector.broadcast %parallel_loop3A_162 : i32 to vector<16xi32>
      %parallel_loop3A_166 = arith.minsi %parallel_loop3A_165, %parallel_loop3A_164 : vector<16xi32>
      %parallel_loop3A_167 = arith.constant 519 : i32
      %parallel_loop3A_168 = vector.broadcast %parallel_loop3A_167 : i32 to vector<16xi32>
      %parallel_loop3A_169 = arith.addi %parallel_loop3A_166, %parallel_loop3A_168 : vector<16xi32>
      %parallel_loop3A_170 = tpu.vector_load_idx %arg4[%parallel_loop3A_169] : memref<1040xf32, #tpu.memory_space<vmem>>[vector<16xi32>], vector<16xf32>,
      %parallel_loop3A_171 = arith.constant 16 : i32
      %parallel_loop3A_172 = arith.muli %parallel_loop3A_145, %parallel_loop3A_171 : i32
      %parallel_loop3A_173 = arith.constant 3456 : i32
      %parallel_loop3A_174 = arith.addi %parallel_loop3A_173, %parallel_loop3A_172 : i32
      %parallel_loop3A_175 = arith.constant 7 : i32
      %parallel_loop3A_176 = arith.index_cast %parallel_loop3A_175 : i32 to index
      %parallel_loop3A_177 = arith.index_cast %parallel_loop3A_174 : i32 to index
      %parallel_loop3A_178 = tpu.vector_load %arg5[%parallel_loop3A_176, %parallel_loop3A_177] {strides = array<i32>} : memref<8x8192xf32, #tpu.memory_space<vmem>>, vector<16xf32>,
      tpu.vector_store %arg5[%parallel_loop3A_176, %parallel_loop3A_177], %parallel_loop3A_170 {strides = array<i32>} : memref<8x8192xf32, #tpu.memory_space<vmem>>, vector<16xf32>,
    } {sc.loop_unroll_factor = 4 : i64, sc.parallel_access}
    %eq3A_70 = arith.constant 0 : i32
    %eq3A_71 = arith.cmpi eq, %select_n3A_30, %eq3A_70 : i32
    %jit3A_72 = arith.constant 4736 : i32
    %jit3A_73 = arith.constant 0 : i32
    %select_n3A_74 = arith.select %eq3A_71, %jit3A_72, %jit3A_73 : i32
    %eq3A_75 = arith.constant 0 : i32
    %eq3A_76 = arith.cmpi eq, %select_n3A_30, %eq3A_75 : i32
    %jit3A_77 = arith.constant 208 : i32
    %jit3A_78 = arith.constant 216 : i32
    %select_n3A_79 = arith.select %eq3A_76, %jit3A_77, %jit3A_78 : i32
    %eq3A_80 = arith.constant 0 : i32
    %eq3A_81 = arith.cmpi eq, %select_n3A_30, %eq3A_80 : i32
    %select_n3A_82 = arith.select %eq3A_81, %gather3A_46, %gather3A : vector<16xf32>
    %eq3A_83 = arith.constant 0 : i32
    %eq3A_84 = arith.cmpi eq, %select_n3A_30, %eq3A_83 : i32
    %jit3A_85 = arith.constant 2048 : i32
    %jit3A_86 = arith.constant 4736 : i32
    %select_n3A_87 = arith.select %eq3A_84, %jit3A_85, %jit3A_86 : i32
    %eq3A_88 = arith.constant 0 : i32
    %eq3A_89 = arith.cmpi eq, %select_n3A_30, %eq3A_88 : i32
    %jit3A_90 = arith.constant 88 : i32
    %jit3A_91 = arith.constant 80 : i32
    %select_n3A_92 = arith.select %eq3A_89, %jit3A_90, %jit3A_91 : i32
    %eq3A_93 = arith.constant 0 : i32
    %eq3A_94 = arith.cmpi eq, %select_n3A_30, %eq3A_93 : i32
    %select_n3A_95 = arith.select %eq3A_94, %gather3A, %gather3A_46 : vector<16xf32>
    %parallel_loop3A_96 = arith.constant 0 : i32
    %parallel_loop3A_97 = arith.constant 1 : i32
    scf.for %parallel_loop3A_145 = %parallel_loop3A_96 to %select_n3A_79 step %parallel_loop3A_97  : i32 {
      %parallel_loop3A_146 = arith.constant 16 : i32
      %parallel_loop3A_147 = arith.muli %parallel_loop3A_145, %parallel_loop3A_146 : i32
      %parallel_loop3A_148 = arith.addi %select_n3A_74, %parallel_loop3A_147 : i32
      %parallel_loop3A_149 = arith.constant 0 : i32
      %parallel_loop3A_150 = arith.index_cast %parallel_loop3A_149 : i32 to index
      %parallel_loop3A_151 = arith.index_cast %parallel_loop3A_148 : i32 to index
      %parallel_loop3A_152 = tpu.vector_load %arg5[%parallel_loop3A_150, %parallel_loop3A_151] {strides = array<i32>} : memref<8x8192xf32, #tpu.memory_space<vmem>>, vector<16xf32>,
      tpu.vector_store %arg5[%parallel_loop3A_150, %parallel_loop3A_151], %select_n3A_82 {strides = array<i32>} : memref<8x8192xf32, #tpu.memory_space<vmem>>, vector<16xf32>,
    } {sc.loop_unroll_factor = 8 : i64, sc.parallel_access}
    %parallel_loop3A_98 = arith.constant 0 : i32
    %parallel_loop3A_99 = arith.constant 1 : i32
    scf.for %parallel_loop3A_145 = %parallel_loop3A_98 to %select_n3A_79 step %parallel_loop3A_99  : i32 {
      %parallel_loop3A_146 = arith.constant 16 : i32
      %parallel_loop3A_147 = arith.muli %parallel_loop3A_145, %parallel_loop3A_146 : i32
      %parallel_loop3A_148 = arith.addi %select_n3A_74, %parallel_loop3A_147 : i32
      %parallel_loop3A_149 = arith.constant 1 : i32
      %parallel_loop3A_150 = arith.index_cast %parallel_loop3A_149 : i32 to index
      %parallel_loop3A_151 = arith.index_cast %parallel_loop3A_148 : i32 to index
      %parallel_loop3A_152 = tpu.vector_load %arg5[%parallel_loop3A_150, %parallel_loop3A_151] {strides = array<i32>} : memref<8x8192xf32, #tpu.memory_space<vmem>>, vector<16xf32>,
      tpu.vector_store %arg5[%parallel_loop3A_150, %parallel_loop3A_151], %select_n3A_82 {strides = array<i32>} : memref<8x8192xf32, #tpu.memory_space<vmem>>, vector<16xf32>,
    } {sc.loop_unroll_factor = 8 : i64, sc.parallel_access}
    %parallel_loop3A_100 = arith.constant 0 : i32
    %parallel_loop3A_101 = arith.constant 1 : i32
    scf.for %parallel_loop3A_145 = %parallel_loop3A_100 to %select_n3A_79 step %parallel_loop3A_101  : i32 {
      %parallel_loop3A_146 = arith.constant 16 : i32
      %parallel_loop3A_147 = arith.muli %parallel_loop3A_145, %parallel_loop3A_146 : i32
      %parallel_loop3A_148 = arith.addi %select_n3A_74, %parallel_loop3A_147 : i32
      %parallel_loop3A_149 = arith.constant 2 : i32
      %parallel_loop3A_150 = arith.index_cast %parallel_loop3A_149 : i32 to index
      %parallel_loop3A_151 = arith.index_cast %parallel_loop3A_148 : i32 to index
      %parallel_loop3A_152 = tpu.vector_load %arg5[%parallel_loop3A_150, %parallel_loop3A_151] {strides = array<i32>} : memref<8x8192xf32, #tpu.memory_space<vmem>>, vector<16xf32>,
      tpu.vector_store %arg5[%parallel_loop3A_150, %parallel_loop3A_151], %select_n3A_82 {strides = array<i32>} : memref<8x8192xf32, #tpu.memory_space<vmem>>, vector<16xf32>,
    } {sc.loop_unroll_factor = 8 : i64, sc.parallel_access}
    %parallel_loop3A_102 = arith.constant 0 : i32
    %parallel_loop3A_103 = arith.constant 1 : i32
    scf.for %parallel_loop3A_145 = %parallel_loop3A_102 to %select_n3A_79 step %parallel_loop3A_103  : i32 {
      %parallel_loop3A_146 = arith.constant 16 : i32
      %parallel_loop3A_147 = arith.muli %parallel_loop3A_145, %parallel_loop3A_146 : i32
      %parallel_loop3A_148 = arith.addi %select_n3A_74, %parallel_loop3A_147 : i32
      %parallel_loop3A_149 = arith.constant 3 : i32
      %parallel_loop3A_150 = arith.index_cast %parallel_loop3A_149 : i32 to index
      %parallel_loop3A_151 = arith.index_cast %parallel_loop3A_148 : i32 to index
      %parallel_loop3A_152 = tpu.vector_load %arg5[%parallel_loop3A_150, %parallel_loop3A_151] {strides = array<i32>} : memref<8x8192xf32, #tpu.memory_space<vmem>>, vector<16xf32>,
      tpu.vector_store %arg5[%parallel_loop3A_150, %parallel_loop3A_151], %select_n3A_82 {strides = array<i32>} : memref<8x8192xf32, #tpu.memory_space<vmem>>, vector<16xf32>,
    } {sc.loop_unroll_factor = 8 : i64, sc.parallel_access}
    %parallel_loop3A_104 = arith.constant 0 : i32
    %parallel_loop3A_105 = arith.constant 1 : i32
    scf.for %parallel_loop3A_145 = %parallel_loop3A_104 to %select_n3A_79 step %parallel_loop3A_105  : i32 {
      %parallel_loop3A_146 = arith.constant 16 : i32
      %parallel_loop3A_147 = arith.muli %parallel_loop3A_145, %parallel_loop3A_146 : i32
      %parallel_loop3A_148 = arith.addi %select_n3A_74, %parallel_loop3A_147 : i32
      %parallel_loop3A_149 = arith.constant 4 : i32
      %parallel_loop3A_150 = arith.index_cast %parallel_loop3A_149 : i32 to index
      %parallel_loop3A_151 = arith.index_cast %parallel_loop3A_148 : i32 to index
      %parallel_loop3A_152 = tpu.vector_load %arg5[%parallel_loop3A_150, %parallel_loop3A_151] {strides = array<i32>} : memref<8x8192xf32, #tpu.memory_space<vmem>>, vector<16xf32>,
      tpu.vector_store %arg5[%parallel_loop3A_150, %parallel_loop3A_151], %select_n3A_82 {strides = array<i32>} : memref<8x8192xf32, #tpu.memory_space<vmem>>, vector<16xf32>,
    } {sc.loop_unroll_factor = 8 : i64, sc.parallel_access}
    %parallel_loop3A_106 = arith.constant 0 : i32
    %parallel_loop3A_107 = arith.constant 1 : i32
    scf.for %parallel_loop3A_145 = %parallel_loop3A_106 to %select_n3A_79 step %parallel_loop3A_107  : i32 {
      %parallel_loop3A_146 = arith.constant 16 : i32
      %parallel_loop3A_147 = arith.muli %parallel_loop3A_145, %parallel_loop3A_146 : i32
      %parallel_loop3A_148 = arith.addi %select_n3A_74, %parallel_loop3A_147 : i32
      %parallel_loop3A_149 = arith.constant 5 : i32
      %parallel_loop3A_150 = arith.index_cast %parallel_loop3A_149 : i32 to index
      %parallel_loop3A_151 = arith.index_cast %parallel_loop3A_148 : i32 to index
      %parallel_loop3A_152 = tpu.vector_load %arg5[%parallel_loop3A_150, %parallel_loop3A_151] {strides = array<i32>} : memref<8x8192xf32, #tpu.memory_space<vmem>>, vector<16xf32>,
      tpu.vector_store %arg5[%parallel_loop3A_150, %parallel_loop3A_151], %select_n3A_82 {strides = array<i32>} : memref<8x8192xf32, #tpu.memory_space<vmem>>, vector<16xf32>,
    } {sc.loop_unroll_factor = 8 : i64, sc.parallel_access}
    %parallel_loop3A_108 = arith.constant 0 : i32
    %parallel_loop3A_109 = arith.constant 1 : i32
    scf.for %parallel_loop3A_145 = %parallel_loop3A_108 to %select_n3A_79 step %parallel_loop3A_109  : i32 {
      %parallel_loop3A_146 = arith.constant 16 : i32
      %parallel_loop3A_147 = arith.muli %parallel_loop3A_145, %parallel_loop3A_146 : i32
      %parallel_loop3A_148 = arith.addi %select_n3A_74, %parallel_loop3A_147 : i32
      %parallel_loop3A_149 = arith.constant 6 : i32
      %parallel_loop3A_150 = arith.index_cast %parallel_loop3A_149 : i32 to index
      %parallel_loop3A_151 = arith.index_cast %parallel_loop3A_148 : i32 to index
      %parallel_loop3A_152 = tpu.vector_load %arg5[%parallel_loop3A_150, %parallel_loop3A_151] {strides = array<i32>} : memref<8x8192xf32, #tpu.memory_space<vmem>>, vector<16xf32>,
      tpu.vector_store %arg5[%parallel_loop3A_150, %parallel_loop3A_151], %select_n3A_82 {strides = array<i32>} : memref<8x8192xf32, #tpu.memory_space<vmem>>, vector<16xf32>,
    } {sc.loop_unroll_factor = 8 : i64, sc.parallel_access}
    %parallel_loop3A_110 = arith.constant 0 : i32
    %parallel_loop3A_111 = arith.constant 1 : i32
    scf.for %parallel_loop3A_145 = %parallel_loop3A_110 to %select_n3A_79 step %parallel_loop3A_111  : i32 {
      %parallel_loop3A_146 = arith.constant 16 : i32
      %parallel_loop3A_147 = arith.muli %parallel_loop3A_145, %parallel_loop3A_146 : i32
      %parallel_loop3A_148 = arith.addi %select_n3A_74, %parallel_loop3A_147 : i32
      %parallel_loop3A_149 = arith.constant 7 : i32
      %parallel_loop3A_150 = arith.index_cast %parallel_loop3A_149 : i32 to index
      %parallel_loop3A_151 = arith.index_cast %parallel_loop3A_148 : i32 to index
      %parallel_loop3A_152 = tpu.vector_load %arg5[%parallel_loop3A_150, %parallel_loop3A_151] {strides = array<i32>} : memref<8x8192xf32, #tpu.memory_space<vmem>>, vector<16xf32>,
      tpu.vector_store %arg5[%parallel_loop3A_150, %parallel_loop3A_151], %select_n3A_82 {strides = array<i32>} : memref<8x8192xf32, #tpu.memory_space<vmem>>, vector<16xf32>,
    } {sc.loop_unroll_factor = 8 : i64, sc.parallel_access}
    %scan3A = arith.constant 0 : i32
    %scan3A_112 = arith.constant 0 : i32
    %scan3A_113 = arith.constant 5 : i32
    %scan3A_114 = arith.addi %scan3A_112, %scan3A_113 : i32
    %scan3A_115 = arith.constant 1 : i32
    scf.for %scan3A_145 = %scan3A_112 to %scan3A_114 step %scan3A_115  : i32 {
      %eq3A_146 = arith.constant 0 : i32
      %eq3A_147 = arith.cmpi eq, %select_n3A_30, %eq3A_146 : i32
      %add3A_148 = arith.constant 11 : i32
      %add3A_149 = arith.addi %add3A_148, %scan3A_145 : i32
      %select_n3A_150 = arith.select %eq3A_147, %scan3A_145, %add3A_149 : i32
      %mul3A_151 = arith.constant 16 : i32
      %mul3A_152 = arith.muli %select_n3A_30, %mul3A_151 : i32
      %add3A_153 = arith.addi %mul3A_152, %select_n3A_150 : i32
      %mul3A_154 = arith.constant 16 : i32
      %mul3A_155 = arith.muli %mul3A_154, %add3A_153 : i32
      %add3A_156 = arith.addi %mul3A_155, %select_n3A_9 : i32
      %mul3A_157 = arith.constant 128 : i32
      %mul3A_158 = arith.muli %mul3A_157, %add3A_153 : i32
      %sub3A_159 = arith.constant 3968 : i32
      %sub3A_160 = arith.subi %sub3A_159, %mul3A_158 : i32
      %multiple_of3A = tpu.assume_multiple %sub3A_160, 128 : i32
      %mul3A_161 = arith.constant 8 : i32
      %mul3A_162 = arith.muli %mul3A_161, %add3A_156 : i32
      %multiple_of3A_163 = tpu.assume_multiple %mul3A_162, 8 : i32
      %dma_start3A = arith.constant 0 : i32
      %dma_start3A_164 = tpu.memref_slice %arg5[%dma_start3A, %multiple_of3A] : memref<8x8192xf32, #tpu.memory_space<vmem>> -> memref<8x4096xf32, #tpu.memory_space<vmem>>
      %dma_start3A_165 = arith.constant 0 : i32
      %dma_start3A_166 = tpu.memref_slice %arg3[%multiple_of3A_163, %dma_start3A_165] : memref<4096x4096xf32, #tpu.memory_space<hbm>> -> memref<8x4096xf32, #tpu.memory_space<hbm>>
      %dma_start3A_167 = arith.constant 0 : i32
      %dma_start3A_168 = tpu.memref_slice %arg3[%multiple_of3A_163, %dma_start3A_167] : memref<4096x4096xf32, #tpu.memory_space<hbm>> -> memref<8x4096xf32, #tpu.memory_space<hbm>>
      %dma_start3A_169 = arith.constant 0 : i32
      %dma_start3A_170 = tpu.memref_slice %arg5[%dma_start3A_169, %multiple_of3A] : memref<8x8192xf32, #tpu.memory_space<vmem>> -> memref<8x4096xf32, #tpu.memory_space<vmem>>
      tpu.enqueue_dma source(%dma_start3A_170 : memref<8x4096xf32, #tpu.memory_space<vmem>>) target(%dma_start3A_168 : memref<8x4096xf32, #tpu.memory_space<hbm>>) target_semaphore(%arg6 : memref<!tpu.dma_semaphore, #tpu.memory_space<semaphore_mem>>)
    }
    %scan3A_116 = arith.constant 5 : i32
    %parallel_loop3A_117 = arith.constant 0 : i32
    %parallel_loop3A_118 = arith.constant 1 : i32
    scf.for %parallel_loop3A_145 = %parallel_loop3A_117 to %select_n3A_92 step %parallel_loop3A_118  : i32 {
      %parallel_loop3A_146 = arith.constant 16 : i32
      %parallel_loop3A_147 = arith.muli %parallel_loop3A_145, %parallel_loop3A_146 : i32
      %parallel_loop3A_148 = arith.addi %select_n3A_87, %parallel_loop3A_147 : i32
      %parallel_loop3A_149 = arith.constant 0 : i32
      %parallel_loop3A_150 = arith.index_cast %parallel_loop3A_149 : i32 to index
      %parallel_loop3A_151 = arith.index_cast %parallel_loop3A_148 : i32 to index
      %parallel_loop3A_152 = tpu.vector_load %arg5[%parallel_loop3A_150, %parallel_loop3A_151] {strides = array<i32>} : memref<8x8192xf32, #tpu.memory_space<vmem>>, vector<16xf32>,
      tpu.vector_store %arg5[%parallel_loop3A_150, %parallel_loop3A_151], %select_n3A_95 {strides = array<i32>} : memref<8x8192xf32, #tpu.memory_space<vmem>>, vector<16xf32>,
    } {sc.loop_unroll_factor = 8 : i64, sc.parallel_access}
    %parallel_loop3A_119 = arith.constant 0 : i32
    %parallel_loop3A_120 = arith.constant 1 : i32
    scf.for %parallel_loop3A_145 = %parallel_loop3A_119 to %select_n3A_92 step %parallel_loop3A_120  : i32 {
      %parallel_loop3A_146 = arith.constant 16 : i32
      %parallel_loop3A_147 = arith.muli %parallel_loop3A_145, %parallel_loop3A_146 : i32
      %parallel_loop3A_148 = arith.addi %select_n3A_87, %parallel_loop3A_147 : i32
      %parallel_loop3A_149 = arith.constant 1 : i32
      %parallel_loop3A_150 = arith.index_cast %parallel_loop3A_149 : i32 to index
      %parallel_loop3A_151 = arith.index_cast %parallel_loop3A_148 : i32 to index
      %parallel_loop3A_152 = tpu.vector_load %arg5[%parallel_loop3A_150, %parallel_loop3A_151] {strides = array<i32>} : memref<8x8192xf32, #tpu.memory_space<vmem>>, vector<16xf32>,
      tpu.vector_store %arg5[%parallel_loop3A_150, %parallel_loop3A_151], %select_n3A_95 {strides = array<i32>} : memref<8x8192xf32, #tpu.memory_space<vmem>>, vector<16xf32>,
    } {sc.loop_unroll_factor = 8 : i64, sc.parallel_access}
    %parallel_loop3A_121 = arith.constant 0 : i32
    %parallel_loop3A_122 = arith.constant 1 : i32
    scf.for %parallel_loop3A_145 = %parallel_loop3A_121 to %select_n3A_92 step %parallel_loop3A_122  : i32 {
      %parallel_loop3A_146 = arith.constant 16 : i32
      %parallel_loop3A_147 = arith.muli %parallel_loop3A_145, %parallel_loop3A_146 : i32
      %parallel_loop3A_148 = arith.addi %select_n3A_87, %parallel_loop3A_147 : i32
      %parallel_loop3A_149 = arith.constant 2 : i32
      %parallel_loop3A_150 = arith.index_cast %parallel_loop3A_149 : i32 to index
      %parallel_loop3A_151 = arith.index_cast %parallel_loop3A_148 : i32 to index
      %parallel_loop3A_152 = tpu.vector_load %arg5[%parallel_loop3A_150, %parallel_loop3A_151] {strides = array<i32>} : memref<8x8192xf32, #tpu.memory_space<vmem>>, vector<16xf32>,
      tpu.vector_store %arg5[%parallel_loop3A_150, %parallel_loop3A_151], %select_n3A_95 {strides = array<i32>} : memref<8x8192xf32, #tpu.memory_space<vmem>>, vector<16xf32>,
    } {sc.loop_unroll_factor = 8 : i64, sc.parallel_access}
    %parallel_loop3A_123 = arith.constant 0 : i32
    %parallel_loop3A_124 = arith.constant 1 : i32
    scf.for %parallel_loop3A_145 = %parallel_loop3A_123 to %select_n3A_92 step %parallel_loop3A_124  : i32 {
      %parallel_loop3A_146 = arith.constant 16 : i32
      %parallel_loop3A_147 = arith.muli %parallel_loop3A_145, %parallel_loop3A_146 : i32
      %parallel_loop3A_148 = arith.addi %select_n3A_87, %parallel_loop3A_147 : i32
      %parallel_loop3A_149 = arith.constant 3 : i32
      %parallel_loop3A_150 = arith.index_cast %parallel_loop3A_149 : i32 to index
      %parallel_loop3A_151 = arith.index_cast %parallel_loop3A_148 : i32 to index
      %parallel_loop3A_152 = tpu.vector_load %arg5[%parallel_loop3A_150, %parallel_loop3A_151] {strides = array<i32>} : memref<8x8192xf32, #tpu.memory_space<vmem>>, vector<16xf32>,
      tpu.vector_store %arg5[%parallel_loop3A_150, %parallel_loop3A_151], %select_n3A_95 {strides = array<i32>} : memref<8x8192xf32, #tpu.memory_space<vmem>>, vector<16xf32>,
    } {sc.loop_unroll_factor = 8 : i64, sc.parallel_access}
    %parallel_loop3A_125 = arith.constant 0 : i32
    %parallel_loop3A_126 = arith.constant 1 : i32
    scf.for %parallel_loop3A_145 = %parallel_loop3A_125 to %select_n3A_92 step %parallel_loop3A_126  : i32 {
      %parallel_loop3A_146 = arith.constant 16 : i32
      %parallel_loop3A_147 = arith.muli %parallel_loop3A_145, %parallel_loop3A_146 : i32
      %parallel_loop3A_148 = arith.addi %select_n3A_87, %parallel_loop3A_147 : i32
      %parallel_loop3A_149 = arith.constant 4 : i32
      %parallel_loop3A_150 = arith.index_cast %parallel_loop3A_149 : i32 to index
      %parallel_loop3A_151 = arith.index_cast %parallel_loop3A_148 : i32 to index
      %parallel_loop3A_152 = tpu.vector_load %arg5[%parallel_loop3A_150, %parallel_loop3A_151] {strides = array<i32>} : memref<8x8192xf32, #tpu.memory_space<vmem>>, vector<16xf32>,
      tpu.vector_store %arg5[%parallel_loop3A_150, %parallel_loop3A_151], %select_n3A_95 {strides = array<i32>} : memref<8x8192xf32, #tpu.memory_space<vmem>>, vector<16xf32>,
    } {sc.loop_unroll_factor = 8 : i64, sc.parallel_access}
    %parallel_loop3A_127 = arith.constant 0 : i32
    %parallel_loop3A_128 = arith.constant 1 : i32
    scf.for %parallel_loop3A_145 = %parallel_loop3A_127 to %select_n3A_92 step %parallel_loop3A_128  : i32 {
      %parallel_loop3A_146 = arith.constant 16 : i32
      %parallel_loop3A_147 = arith.muli %parallel_loop3A_145, %parallel_loop3A_146 : i32
      %parallel_loop3A_148 = arith.addi %select_n3A_87, %parallel_loop3A_147 : i32
      %parallel_loop3A_149 = arith.constant 5 : i32
      %parallel_loop3A_150 = arith.index_cast %parallel_loop3A_149 : i32 to index
      %parallel_loop3A_151 = arith.index_cast %parallel_loop3A_148 : i32 to index
      %parallel_loop3A_152 = tpu.vector_load %arg5[%parallel_loop3A_150, %parallel_loop3A_151] {strides = array<i32>} : memref<8x8192xf32, #tpu.memory_space<vmem>>, vector<16xf32>,
      tpu.vector_store %arg5[%parallel_loop3A_150, %parallel_loop3A_151], %select_n3A_95 {strides = array<i32>} : memref<8x8192xf32, #tpu.memory_space<vmem>>, vector<16xf32>,
    } {sc.loop_unroll_factor = 8 : i64, sc.parallel_access}
    %parallel_loop3A_129 = arith.constant 0 : i32
    %parallel_loop3A_130 = arith.constant 1 : i32
    scf.for %parallel_loop3A_145 = %parallel_loop3A_129 to %select_n3A_92 step %parallel_loop3A_130  : i32 {
      %parallel_loop3A_146 = arith.constant 16 : i32
      %parallel_loop3A_147 = arith.muli %parallel_loop3A_145, %parallel_loop3A_146 : i32
      %parallel_loop3A_148 = arith.addi %select_n3A_87, %parallel_loop3A_147 : i32
      %parallel_loop3A_149 = arith.constant 6 : i32
      %parallel_loop3A_150 = arith.index_cast %parallel_loop3A_149 : i32 to index
      %parallel_loop3A_151 = arith.index_cast %parallel_loop3A_148 : i32 to index
      %parallel_loop3A_152 = tpu.vector_load %arg5[%parallel_loop3A_150, %parallel_loop3A_151] {strides = array<i32>} : memref<8x8192xf32, #tpu.memory_space<vmem>>, vector<16xf32>,
      tpu.vector_store %arg5[%parallel_loop3A_150, %parallel_loop3A_151], %select_n3A_95 {strides = array<i32>} : memref<8x8192xf32, #tpu.memory_space<vmem>>, vector<16xf32>,
    } {sc.loop_unroll_factor = 8 : i64, sc.parallel_access}
    %parallel_loop3A_131 = arith.constant 0 : i32
    %parallel_loop3A_132 = arith.constant 1 : i32
    scf.for %parallel_loop3A_145 = %parallel_loop3A_131 to %select_n3A_92 step %parallel_loop3A_132  : i32 {
      %parallel_loop3A_146 = arith.constant 16 : i32
      %parallel_loop3A_147 = arith.muli %parallel_loop3A_145, %parallel_loop3A_146 : i32
      %parallel_loop3A_148 = arith.addi %select_n3A_87, %parallel_loop3A_147 : i32
      %parallel_loop3A_149 = arith.constant 7 : i32
      %parallel_loop3A_150 = arith.index_cast %parallel_loop3A_149 : i32 to index
      %parallel_loop3A_151 = arith.index_cast %parallel_loop3A_148 : i32 to index
      %parallel_loop3A_152 = tpu.vector_load %arg5[%parallel_loop3A_150, %parallel_loop3A_151] {strides = array<i32>} : memref<8x8192xf32, #tpu.memory_space<vmem>>, vector<16xf32>,
      tpu.vector_store %arg5[%parallel_loop3A_150, %parallel_loop3A_151], %select_n3A_95 {strides = array<i32>} : memref<8x8192xf32, #tpu.memory_space<vmem>>, vector<16xf32>,
    } {sc.loop_unroll_factor = 8 : i64, sc.parallel_access}
    %scan3A_133 = arith.constant 0 : i32
    %scan3A_134 = arith.constant 0 : i32
    %scan3A_135 = arith.constant 11 : i32
    %scan3A_136 = arith.addi %scan3A_134, %scan3A_135 : i32
    %scan3A_137 = arith.constant 1 : i32
    scf.for %scan3A_145 = %scan3A_134 to %scan3A_136 step %scan3A_137  : i32 {
      %eq3A_146 = arith.constant 0 : i32
      %eq3A_147 = arith.cmpi eq, %select_n3A_30, %eq3A_146 : i32
      %add3A_148 = arith.constant 5 : i32
      %add3A_149 = arith.addi %add3A_148, %scan3A_145 : i32
      %select_n3A_150 = arith.select %eq3A_147, %add3A_149, %scan3A_145 : i32
      %mul3A_151 = arith.constant 16 : i32
      %mul3A_152 = arith.muli %select_n3A_30, %mul3A_151 : i32
      %add3A_153 = arith.addi %mul3A_152, %select_n3A_150 : i32
      %mul3A_154 = arith.constant 16 : i32
      %mul3A_155 = arith.muli %mul3A_154, %add3A_153 : i32
      %add3A_156 = arith.addi %mul3A_155, %select_n3A_9 : i32
      %mul3A_157 = arith.constant 128 : i32
      %mul3A_158 = arith.muli %mul3A_157, %add3A_153 : i32
      %sub3A_159 = arith.constant 3968 : i32
      %sub3A_160 = arith.subi %sub3A_159, %mul3A_158 : i32
      %multiple_of3A = tpu.assume_multiple %sub3A_160, 128 : i32
      %mul3A_161 = arith.constant 8 : i32
      %mul3A_162 = arith.muli %mul3A_161, %add3A_156 : i32
      %multiple_of3A_163 = tpu.assume_multiple %mul3A_162, 8 : i32
      %dma_start3A = arith.constant 0 : i32
      %dma_start3A_164 = tpu.memref_slice %arg5[%dma_start3A, %multiple_of3A] : memref<8x8192xf32, #tpu.memory_space<vmem>> -> memref<8x4096xf32, #tpu.memory_space<vmem>>
      %dma_start3A_165 = arith.constant 0 : i32
      %dma_start3A_166 = tpu.memref_slice %arg3[%multiple_of3A_163, %dma_start3A_165] : memref<4096x4096xf32, #tpu.memory_space<hbm>> -> memref<8x4096xf32, #tpu.memory_space<hbm>>
      %dma_start3A_167 = arith.constant 0 : i32
      %dma_start3A_168 = tpu.memref_slice %arg3[%multiple_of3A_163, %dma_start3A_167] : memref<4096x4096xf32, #tpu.memory_space<hbm>> -> memref<8x4096xf32, #tpu.memory_space<hbm>>
      %dma_start3A_169 = arith.constant 0 : i32
      %dma_start3A_170 = tpu.memref_slice %arg5[%dma_start3A_169, %multiple_of3A] : memref<8x8192xf32, #tpu.memory_space<vmem>> -> memref<8x4096xf32, #tpu.memory_space<vmem>>
      tpu.enqueue_dma source(%dma_start3A_170 : memref<8x4096xf32, #tpu.memory_space<vmem>>) target(%dma_start3A_168 : memref<8x4096xf32, #tpu.memory_space<hbm>>) target_semaphore(%arg6 : memref<!tpu.dma_semaphore, #tpu.memory_space<semaphore_mem>>)
      %mul3A_171 = arith.constant 16 : i32
      %mul3A_172 = arith.muli %select_n3A_30, %mul3A_171 : i32
      %add3A_173 = arith.constant 0 : i32
      %add3A_174 = arith.addi %mul3A_172, %add3A_173 : i32
      %mul3A_175 = arith.constant 16 : i32
      %mul3A_176 = arith.muli %mul3A_175, %add3A_174 : i32
      %add3A_177 = arith.addi %mul3A_176, %select_n3A_9 : i32
      %mul3A_178 = arith.constant 128 : i32
      %mul3A_179 = arith.muli %mul3A_178, %add3A_174 : i32
      %sub3A_180 = arith.constant 3968 : i32
      %sub3A_181 = arith.subi %sub3A_180, %mul3A_179 : i32
      %multiple_of3A_182 = tpu.assume_multiple %sub3A_181, 128 : i32
      %mul3A_183 = arith.constant 8 : i32
      %mul3A_184 = arith.muli %mul3A_183, %add3A_177 : i32
      %multiple_of3A_185 = tpu.assume_multiple %mul3A_184, 8 : i32
      %dma_wait3A = arith.constant 0 : i32
      %dma_wait3A_186 = tpu.memref_slice %arg5[%dma_wait3A, %multiple_of3A_182] : memref<8x8192xf32, #tpu.memory_space<vmem>> -> memref<8x4096xf32, #tpu.memory_space<vmem>>
      %dma_wait3A_187 = arith.constant 0 : i32
      %dma_wait3A_188 = tpu.memref_slice %arg3[%multiple_of3A_185, %dma_wait3A_187] : memref<4096x4096xf32, #tpu.memory_space<hbm>> -> memref<8x4096xf32, #tpu.memory_space<hbm>>
      %dma_wait3A_189 = arith.constant 0 : i32
      %dma_wait3A_190 = tpu.memref_slice %arg3[%multiple_of3A_185, %dma_wait3A_189] : memref<4096x4096xf32, #tpu.memory_space<hbm>> -> memref<8x4096xf32, #tpu.memory_space<hbm>>
      %dma_wait3A_191 = arith.constant 0 : i32
      %dma_wait3A_192 = tpu.memref_slice %arg5[%dma_wait3A_191, %multiple_of3A_182] : memref<8x8192xf32, #tpu.memory_space<vmem>> -> memref<8x4096xf32, #tpu.memory_space<vmem>>
      tpu.wait_dma2 semaphore(%arg6 : memref<!tpu.dma_semaphore, #tpu.memory_space<semaphore_mem>>) src(%dma_wait3A_192 : memref<8x4096xf32, #tpu.memory_space<vmem>>) dst(%dma_wait3A_190 : memref<8x4096xf32, #tpu.memory_space<hbm>>)
    }
    %scan3A_138 = arith.constant 11 : i32
    %scan3A_139 = arith.constant 0 : i32
    %scan3A_140 = arith.constant 0 : i32
    %scan3A_141 = arith.constant 5 : i32
    %scan3A_142 = arith.addi %scan3A_140, %scan3A_141 : i32
    %scan3A_143 = arith.constant 1 : i32
    scf.for %scan3A_145 = %scan3A_140 to %scan3A_142 step %scan3A_143  : i32 {
      %mul3A_146 = arith.constant 16 : i32
      %mul3A_147 = arith.muli %select_n3A_30, %mul3A_146 : i32
      %add3A_148 = arith.constant 0 : i32
      %add3A_149 = arith.addi %mul3A_147, %add3A_148 : i32
      %mul3A_150 = arith.constant 16 : i32
      %mul3A_151 = arith.muli %mul3A_150, %add3A_149 : i32
      %add3A_152 = arith.addi %mul3A_151, %select_n3A_9 : i32
      %mul3A_153 = arith.constant 128 : i32
      %mul3A_154 = arith.muli %mul3A_153, %add3A_149 : i32
      %sub3A_155 = arith.constant 3968 : i32
      %sub3A_156 = arith.subi %sub3A_155, %mul3A_154 : i32
      %multiple_of3A = tpu.assume_multiple %sub3A_156, 128 : i32
      %mul3A_157 = arith.constant 8 : i32
      %mul3A_158 = arith.muli %mul3A_157, %add3A_152 : i32
      %multiple_of3A_159 = tpu.assume_multiple %mul3A_158, 8 : i32
      %dma_wait3A = arith.constant 0 : i32
      %dma_wait3A_160 = tpu.memref_slice %arg5[%dma_wait3A, %multiple_of3A] : memref<8x8192xf32, #tpu.memory_space<vmem>> -> memref<8x4096xf32, #tpu.memory_space<vmem>>
      %dma_wait3A_161 = arith.constant 0 : i32
      %dma_wait3A_162 = tpu.memref_slice %arg3[%multiple_of3A_159, %dma_wait3A_161] : memref<4096x4096xf32, #tpu.memory_space<hbm>> -> memref<8x4096xf32, #tpu.memory_space<hbm>>
      %dma_wait3A_163 = arith.constant 0 : i32
      %dma_wait3A_164 = tpu.memref_slice %arg3[%multiple_of3A_159, %dma_wait3A_163] : memref<4096x4096xf32, #tpu.memory_space<hbm>> -> memref<8x4096xf32, #tpu.memory_space<hbm>>
      %dma_wait3A_165 = arith.constant 0 : i32
      %dma_wait3A_166 = tpu.memref_slice %arg5[%dma_wait3A_165, %multiple_of3A] : memref<8x8192xf32, #tpu.memory_space<vmem>> -> memref<8x4096xf32, #tpu.memory_space<vmem>>
      tpu.wait_dma2 semaphore(%arg6 : memref<!tpu.dma_semaphore, #tpu.memory_space<semaphore_mem>>) src(%dma_wait3A_166 : memref<8x4096xf32, #tpu.memory_space<vmem>>) dst(%dma_wait3A_164 : memref<8x4096xf32, #tpu.memory_space<hbm>>)
    }
    %scan3A_144 = arith.constant 5 : i32
    return
  }
}

</mosaic_0001>

<sc_bundles>
// kernel: _rel_pos_bias.3.cloned.1.call-start
scs
__scs_entry_jumppad:
0x0: {  	(pc) =	sbr.rel $0x88, $3  }
0x1: {  	(tag) =	ssettag $0x0;
	lr =	simm.s32 $0x1  }
0x2: {  	[smem:$0x3FA0] =	sst lr;
	_ =	strace $0xD0000000  }
0x3: {  	_ = 	snop  }
0x4: {  	_ = 	snop  }
0x5: {  	_ = 	snop  }
0x6: {  	_ = 	snop  }
0x7: {  	_ = 	snop  }
__scs_overlays_trampoline_lowered:
0x8: {  	[smem:$0x3FAF] =	sst s0  }
0x9: {  	[smem:$0x3FB0] =	sst s1  }
0xa: {  	[smem:$0x3FB1] =	sst s2  }
0xb: {  	[smem:$0x3FB2] =	sst s3  }
0xc: {  	[smem:$0x3FB3] =	sst s4  }
0xd: {  	[smem:$0x3FB4] =	sst s5  }
0xe: {  	[smem:$0x3FB5] =	sst s6  }
0xf: {  	[smem:$0x3FB6] =	sst s7  }
0x10: {  	[smem:$0x3FB7] =	sst s8  }
0x11: {  	[smem:$0x3FB8] =	sst s9;
	s0 =	simm.s32 @!p0 $0x0  }
0x12: {  	s1 =	sld [smem:$0x3F9E];
	s0 =	simm.s32 @p0 $0x1  }
0x13: {  	[smem:$0x3FB9] =	sst s0;
	s0 =	simm.s32 @!p1 $0x0  }
0x14: {  	s2 =	sld [smem:$0x3F9D];
	s0 =	simm.s32 @p1 $0x1  }
0x15: {  	[smem:$0x3FBA] =	sst s0;
	s0 =	simm.s32 @!p2 $0x0  }
0x16: {  	s3 =	sld [smem:$0x3FDB];
	s0 =	simm.s32 @p2 $0x1  }
0x17: {  	s4 =	simm.s32 $0x1BF5;
	[smem:$0x3FBC] =	sst s0  }
0x18: {  	s0 =	sld [smem:$0x3F9F];
	_ =	swait.ge [sflag:s4], $0x0  }
0x19: {  	s7 =	sld [smem:$0x3FA0]  }
0x1a: {  	s8 =	sadd.s32 $0xFFFFE003, lr  }
0x1b: {  	s9 =	sadd.s32 $0xFFFFFEF7, lr;
	s5 =	simm.s32 $0xFFFFFFFF;
	p2 =	slt.u32 s8, $0xFFFFF086  }
0x1c: {  	p1 =	slt.u32 s9, $0xF7A;
	s5 =	simm.s32 @!p2 $0x0  }
0x1d: {  	s5 =	simm.s32 @p1 $0x1;
	p0 =	seq.s32 s7, s2  }
0x1e: {  	s7 =	smul.u32 @!p0 $0xF7A, s2;
	p2 =	seq.s32 @!p0 s5, $0x0  }
0x1f: {  	s9 =	smul.u32 $0xF7A, s1;
	s8 =	simm.s32 @!p0 $0x1BF5;
	p2 =	por !p2, p0  }
0x20: {  	[sflag:s8] =	ssyncset.s32 @!p0 $0xFFFFF086;
	s6 =	sadd.s32 @!p0 s3, s7;
	s7 =	simm.s32 @!p0 $0x108  }
0x21: {  	s3 =	sadd.s32 s3, s9;
	s6 =	sadd.s32 @!p0 $0x88, s6;
	s7 =	simm.s32 @p2 $0x1082  }
0x22: {  	[simem:s7], [sflag:s8] =	dma.local @!p0 [hbm:s6], $0xF7A  }
0x23: {  	s9 =	sor.u32 $0xD0000000, s2;
	s6 =	simm.s32 $0x108;
	_ =	swait.ge @!p0 [sflag:s8], $0x0  }
0x24: {  	s3 =	sadd.s32 $0x88, s3;
	s6 =	simm.s32 @!p1 $0x1082;
	[sflag:s4] =	ssyncset.s32 $0xFFFFF086  }
0x25: {  	[simem:s6], [sflag:s4] =	dma.local [hbm:s3], $0xF7A  }
0x26: {  	[smem:$0x3FA0] =	sst s1;
	(tag) =	ssettag s2;
	_ =	strace s9  }
0x27: {  	s1 =	sld [smem:$0x3FB0]  }
0x28: {  	s2 =	sld [smem:$0x3FB1]  }
0x29: {  	s4 =	sld [smem:$0x3FB3]  }
0x2a: {  	p0 =	seq.s32 s5, $0x0;
	s5 =	sld [smem:$0x3FB4]  }
0x2b: {  	s6 =	sld [smem:$0x3FB5]  }
0x2c: {  	s7 =	sld [smem:$0x3FB6]  }
0x2d: {  	s3 =	simm.s32 $0x108;
	s8 =	sld [smem:$0x3FB7]  }
0x2e: {  	s3 =	simm.s32 @!p0 $0x1082;
	s9 =	sld [smem:$0x3FB8]  }
0x2f: {  	lr =	sadd.s32 s0, s3;
	s0 =	sld [smem:$0x3FAF]  }
0x30: {  	s3 =	sld [smem:$0x3FB2]  }
0x31: {  	[smem:$0x3FBB] =	sst s10  }
0x32: {  	s10 =	sld [smem:$0x3FB9];
	_ =	sdelay $0x3  }
0x33: {  	p0 =	seq.s32 s10, $0x1;
	s10 =	sld [smem:$0x3FBB];
	_ =	sdelay $0x3  }
0x34: {  	[smem:$0x3FBB] =	sst s10  }
0x35: {  	s10 =	sld [smem:$0x3FBA];
	_ =	sdelay $0x3  }
0x36: {  	p1 =	seq.s32 s10, $0x1;
	s10 =	sld [smem:$0x3FBB];
	_ =	sdelay $0x3  }
0x37: {  	[smem:$0x3FBB] =	sst s10  }
0x38: {  	s10 =	sld [smem:$0x3FBC]  }
0x39: {  	_ = 	snop;
	(pc) =	sbr.ind lr, $3  }
0x3a: {  	_ = 	snop  }
0x3b: {  	_ = 	snop  }
0x3c: {  	p2 =	seq.s32 s10, $0x1;
	s10 =	sld [smem:$0x3FBB]  }
0x3d: {  	_ =	shalt  }
0x3e: {  	_ =	shalt  }
0x3f: {  	_ =	shalt  }
0x40: {  	_ =	shalt  }
0x41: {  	_ =	shalt  }
0x42: {  	_ =	shalt  }
0x43: {  	_ =	shalt  }
0x44: {  	_ =	shalt  }
0x45: {  	_ =	shalt  }
0x46: {  	_ =	shalt  }
0x47: {  	_ =	shalt  }
0x48: {  	_ =	shalt  }
0x49: {  	_ =	shalt  }
0x4a: {  	_ =	shalt  }
0x4b: {  	_ =	shalt  }
0x4c: {  	_ =	shalt  }
0x4d: {  	_ =	shalt  }
0x4e: {  	_ =	shalt  }
0x4f: {  	_ =	shalt  }
0x50: {  	_ =	shalt  }
0x51: {  	_ =	shalt  }
0x52: {  	_ =	shalt  }
0x53: {  	_ =	shalt  }
0x54: {  	_ =	shalt  }
0x55: {  	_ =	shalt  }
0x56: {  	_ =	shalt  }
0x57: {  	_ =	shalt  }
0x58: {  	_ =	shalt  }
0x59: {  	_ =	shalt  }
0x5a: {  	_ =	shalt  }
0x5b: {  	_ =	shalt  }
0x5c: {  	_ =	shalt  }
0x5d: {  	_ =	shalt  }
0x5e: {  	_ =	shalt  }
0x5f: {  	_ =	shalt  }
0x60: {  	_ =	shalt  }
0x61: {  	_ =	shalt  }
0x62: {  	_ =	shalt  }
0x63: {  	_ =	shalt  }
0x64: {  	_ =	shalt  }
0x65: {  	_ =	shalt  }
0x66: {  	_ =	shalt  }
0x67: {  	_ =	shalt  }
0x68: {  	_ =	shalt  }
0x69: {  	_ =	shalt  }
0x6a: {  	_ =	shalt  }
0x6b: {  	_ =	shalt  }
0x6c: {  	_ =	shalt  }
0x6d: {  	_ =	shalt  }
0x6e: {  	_ =	shalt  }
0x6f: {  	_ =	shalt  }
0x70: {  	_ =	shalt  }
0x71: {  	_ =	shalt  }
0x72: {  	_ =	shalt  }
0x73: {  	_ =	shalt  }
0x74: {  	_ =	shalt  }
0x75: {  	_ =	shalt  }
0x76: {  	_ =	shalt  }
0x77: {  	_ =	shalt  }
0x78: {  	_ =	shalt  }
0x79: {  	_ =	shalt  }
0x7a: {  	_ =	shalt  }
0x7b: {  	_ =	shalt  }
0x7c: {  	_ =	shalt  }
0x7d: {  	_ =	shalt  }
0x7e: {  	_ =	shalt  }
0x7f: {  	_ =	shalt  }
0x80: {  	_ =	shalt  }
0x81: {  	_ =	shalt  }
0x82: {  	_ =	shalt  }
0x83: {  	_ =	shalt  }
0x84: {  	_ =	shalt  }
0x85: {  	_ =	shalt  }
0x86: {  	_ =	shalt  }
0x87: {  	_ =	shalt  }
.Lfunc_end0:
.L_simem_size_0:
called_computation_lowered:
.L_overlay_start_0:
0x88: {  	s2 =	sld [smem:$0x3FD9]  }
0x89: {  	s3 =	sld [smem:$0x3FFE];
	_ =	sdelay $0x1  }
0x8a: {  	s1 =	srdreg.scid  }
0x8b: {  	s0 =	sand.u32 $0x1, s1  }
0x8c: {  	s18 =	sshll.u32 s0, $0xA;
	s2 =	sadd.s32 s3, s2  }
0x8d: {  	s2 =	sadd.s32 s2, s18  }
0x8e: {  	[smem:$0x3FC7] =	sst s2  }
0x8f: {  	_ = 	snop  }
0x90: {  	s2 =	sld [smem:$0x3FC9]  }
0x91: {  	s19 =	sld [smem:$0x3FD0];
	(tm) =	ssettm $0x1  }
0x92: {  	s4 =	sld [smem:$0x3FFB];
	_ =	sdelay $0x3  }
0x93: {  	_ =	strace s4  }
0x94: {  	s4 =	sld [smem:$0x3FFC];
	_ =	sdelay $0x3  }
0x95: {  	_ =	strace s4  }
0x96: {  	s4 =	sld [smem:$0x3FFD];
	_ =	sdelay $0x3  }
0x97: {  	_ =	strace s4  }
0x98: {  	_ =	strace $0x8FFFFFFF  }
0x99: {  	s20 =	sld [smem:$0x3FDB];
	_ =	sdelay $0x1  }
0x9a: {  	s5 =	simm.s32 $_scs_section_size  }
0x9b: {  	s6 =	simm.s32 $_size__tile_overlayer_lowered;
	s7 =	simm.s32 $_tile_overlayer_lowered  }
0x9c: {  	s23 =	simm.s32 $0x1BFF;
	s22 =	sshll.u32 s7, $0x1;
	s4 =	sadd.s32 s5, s20  }
0x9d: {  	s8 =	simm.s32 $0x0;
	s21 =	sshll.u32 s6, $0x1;
	s6 =	sadd.s32 s22, s4  }
0x9e: {  	[timem:s8], [sflag:s23] =	dma.local [hbm:s6], s21  }
0x9f: {  	_ =	swait.ge [sflag:s23], s21  }
0xa0: {  	s5 =	ssub.s32 $0x0, s21;
	[sflag:s23] =	ssyncset.done $0x0  }
0xa1: {  	[sflag:s23] =	ssyncadd.s32 s5;
	_ =	sdelay $0x1  }
0xa2: {  	s24 =	simm.s32 $0x1B8B  }
0xa3: {  	_ =	swait.ge [sflag:s24], $0x1  }
0xa4: {  	[sflag:s24] =	ssyncset.done $0x0  }
0xa5: {  	s25 =	simm.s32 $0x1B8E;
	[sflag:s24] =	ssyncadd.s32 $0xFFFFFFFF  }
0xa6: {  	s26 =	simm.s32 $execute0_lowered;
	[smem:$0x3FD2] =	sst s25  }
0xa7: {  	s5 =	sshll.u32 s26, $0x1;
	_ =	strace $0x80000046;
	[dreg:$0x1] =	wrdreg $0xFFFFFFFF  }
0xa8: {  	s28 =	simm.s32 $_size_execute0_lowered;
	s4 =	sadd.s32 s4, s5;
	[dreg:$0x0] =	wrdreg $0x0  }
0xa9: {  	s5 =	sshll.u32 s28, $0x1;
	[dreg:$0x2] =	wrdreg s4  }
0xaa: {  	[dreg:$0x3] =	wrdreg s5  }
0xab: {  	[dreg:$0x4] =	wrdreg $0xC0  }
0xac: {  	_ =	task [dreg:s8], $0x5FFFF  }
0xad: {  	[dreg:$0x1] =	wrdreg $0xFFFFFFFF  }
0xae: {  	[dreg:$0x0] =	wrdreg $0x60  }
0xaf: {  	[dreg:$0x2] =	wrdreg s2  }
0xb0: {  	[dreg:$0x3] =	wrdreg s19  }
0xb1: {  	[dreg:$0x4] =	wrdreg $0x9  }
0xb2: {  	_ =	task.clear_ibuf [dreg:s8], $0x5FFFF;
	_ =	strace $0x90000046  }
0xb3: {  	s29 =	simm.s32 $0x9;
	_ =	strace $0x80000048  }
0xb4: {  	_ =	swait.ge [sflag:s29], $0x1  }
0xb5: {  	[sflag:s29] =	ssyncadd.s32 $0xFFFFFFFF  }
0xb6: {  	_ =	strace $0x90000048  }
0xb7: {  	_ =	sfence  }
0xb8: {  	s30 =	sld [smem:$0x0];
	_ =	sdelay $0x2  }
0xb9: {  	s31 =	sshll.u32 s1, $0xD;
	s1 =	sshrl.u32 s1, $0x2  }
0xba: {  	s3 =	sand.u32 $0x4000, s31;
	s1 =	sadd.s32 s1, s30  }
0xbb: {  	s0 =	sor.u32 s3, s0;
	s1 =	sshll.u32 s1, $0x11  }
0xbc: {  	s0 =	sor.u32 s1, s0  }
0xbd: {  	s0 =	sadd.s32 $0x8F2B, s0  }
0xbe: {  	[sflag:s0] =	ssyncadd.remote.s32 $0x1  }
0xbf: {  	_ =	sfence.sel $0xFFFF  }
0xc0: {  	[dreg:$0x0] =	wrdreg $0xFFFFFFFF;
	(pc) =	sbr.abs _section_cstart, $3  }
0xc1: {  	[dreg:$0x1] =	wrdreg $0xFFFFFFFF  }
0xc2: {  	_ =	task.clear_ibuf [dreg:s8], $0x2FFFF;
	_ =	strace $0x9FFFFFFF  }
0xc3: {  	(tm) =	ssettm $0x7FFFFFFF  }
tec
execute0_lowered:
.L_overlay_start_1:
0x0: {  	(tag) =	ssettag $0x1  }
0x1: {  	s1 =	rddreg [dreg:$0x1]  }
0x2: {  	s6 =	stileid.u32;
	s0 =	srdreg.scid  }
0x3: {  	s3 =	simm.s32 $0x0;
	s10 =	simm.s32 $0x9400;
	s8 =	simm.s32 $0x0  }
0x4: {  	s12 =	simm.s32 $0x1;
	s2 =	sshll.u32 s6, $0x1;
	s0 =	sand.u32 $0x1, s0  }
0x5: {  	[smem:$0x7FF] =	sst s3;
	s7 =	sshrl.u32 s6, $0x3;
	s6 =	simm.s32 $0x58  }
0x6: {  	s2 =	sand.u32 $0xE, s2;
	s4 =	ssub.s32 $0x2, s0;
	_ =	strace $0x80000047  }
0x7: {  	p0 =	seq.s32 s7, $0x0;
	s7 =	sshll.u32 s7, $0x4;
	s2 =	sor.u32 s0, s2  }
0x8: {  	s19 =	sshrl.u32 s4, $0x1;
	s10 =	simm.s32 @!p0 $0x0;
	s8 =	simm.s32 @!p0 $0xB  }
0x9: {  	s12 =	simm.s32 @!p0 $0xC;
	s5 =	sshll.u32 s2, $0x3;
	s14 =	sadd.s32 $0x4C0, s10  }
0xa: {  	s9 =	ssub.s32 s4, s19;
	s15 =	sadd.s32 $0x500, s10;
	[dreg:$0xe] =	wrdreg s14  }
0xb: {  	s2 =	sshll.u32 s2, $0xC;
	s16 =	sadd.s32 $0x5D0, s10;
	[dreg:$0x10] =	wrdreg s15  }
0xc: {  	s11 =	sor.u32 s7, s8;
	s17 =	sadd.s32 $0x660, s10;
	[dreg:$0x12] =	wrdreg s16  }
0xd: {  	s22 =	sor.u32 s7, s12;
	s18 =	sadd.s32 $0x6F0, s10;
	[dreg:$0x13] =	wrdreg s17  }
0xe: {  	s19 =	sor.u32 $0x300, s10;
	s8 =	sadd.s32 s1, s2;
	[dreg:$0x14] =	wrdreg s18  }
0xf: {  	s20 =	sshll.u32 s11, $0xA;
	s21 =	smax.u32 s9, $0x1;
	[dreg:$0x11] =	wrdreg s19  }
0x10: {  	s23 =	sshll.u32 s11, $0x10;
	[dreg:$0x3] =	wrdreg s21;
	s1 =	ssub.s32 $0x8080, s20  }
0x11: {  	s24 =	sshll.u32 s22, $0xA;
	s2 =	sadd.s32 s23, s8;
	[dreg:$0x4] =	wrdreg s1  }
0x12: {  	s0 =	simm.s32 $0x4000;
	s25 =	ssub.s32 $0x8080, s24;
	[dreg:$0x5] =	wrdreg s2  }
0x13: {  	s6 =	simm.s32 @!p0 $0x50;
	s20 =	sadd.s32 $0x760, s10;
	[dreg:$0x6] =	wrdreg s25  }
0x14: {  	s0 =	simm.s32 @!p0 $0x9400;
	s23 =	sor.u32 $0x800, s10;
	[dreg:$0x15] =	wrdreg s20  }
0x15: {  	s11 =	simm.s32 $0x2;
	s24 =	sadd.s32 $0x4C0, s0;
	[dreg:$0x17] =	wrdreg s23  }
0x16: {  	s9 =	simm.s32 $0x3;
	s21 =	sor.u32 $0x380, s10;
	[dreg:$0x18] =	wrdreg s24  }
0x17: {  	s1 =	sshll.u32 s22, $0x10;
	s22 =	sadd.s32 $0x7F0, s10;
	[dreg:$0xf] =	wrdreg s21  }
0x18: {  	s11 =	simm.s32 @!p0 $0xD;
	s25 =	sadd.s32 $0x500, s0;
	[dreg:$0x16] =	wrdreg s22  }
0x19: {  	s26 =	sor.u32 s7, s11;
	s20 =	sor.u32 $0x380, s0;
	[dreg:$0x1a] =	wrdreg s25  }
0x1a: {  	s1 =	sadd.s32 s1, s8;
	s28 =	sshll.u32 s26, $0xA;
	[dreg:$0x19] =	wrdreg s20  }
0x1b: {  	s2 =	sshll.u32 s26, $0x10;
	s26 =	sadd.s32 $0x5D0, s0;
	[dreg:$0x7] =	wrdreg s1  }
0x1c: {  	s9 =	simm.s32 @!p0 $0xE;
	s22 =	sor.u32 $0x300, s0;
	[dreg:$0x1c] =	wrdreg s26  }
0x1d: {  	s29 =	sor.u32 s7, s9;
	s1 =	ssub.s32 $0x8080, s28;
	[dreg:$0x1b] =	wrdreg s22  }
0x1e: {  	s30 =	sshll.u32 s29, $0xA;
	s2 =	sadd.s32 s2, s8;
	[dreg:$0x8] =	wrdreg s1  }
0x1f: {  	s4 =	sor.u32 $0xFFFFFF81, s5;
	s31 =	ssub.s32 $0x8080, s30;
	[dreg:$0x9] =	wrdreg s2  }
0x20: {  	s5 =	simm.s32 $0xD0;
	s28 =	sadd.s32 $0x660, s0;
	[dreg:$0xa] =	wrdreg s31  }
0x21: {  	s9 =	simm.s32 $0x4;
	s30 =	sadd.s32 $0x760, s0;
	[dreg:$0x1d] =	wrdreg s28  }
0x22: {  	s1 =	sshll.u32 s29, $0x10;
	s29 =	sadd.s32 $0x6F0, s0;
	[dreg:$0x1f] =	wrdreg s30  }
0x23: {  	v0 =	vlaneseq.u32;
	s9 =	simm.s32 @!p0 $0xF;
	s31 =	sadd.s32 $0x7F0, s0;
	[dreg:$0x1e] =	wrdreg s29  }
0x24: {  	v0 =	vmul.u32 $0xFFFFFFFF, v0;
	s11 =	sor.u32 s7, s9;
	s0 =	sor.u32 $0x800, s0;
	[smem:$0x7FC] =	sst s31  }
0x25: {  	s9 =	sshll.u32 s11, $0xA;
	s1 =	sadd.s32 s1, s8;
	[smem:$0x7FD] =	sst s0  }
0x26: {  	v1 =	vimm.s32 $0x406;
	v2 =	vimm.s32 $0x8;
	v3 =	vadd.s32 $0xFFF, v0;
	s2 =	sshll.u32 s11, $0x10;
	s12 =	ssub.s32 $0x8080, s9;
	[dreg:$0xb] =	wrdreg s1  }
0x27: {  	v4 =	vadd.s32 $0x1000, v0;
	v5 =	vadd.s32 $0x1001, v0;
	v6 =	vadd.s32 $0x1002, v0;
	s15 =	simm.s32 $0x1;
	s13 =	sadd.s32 s2, s8;
	[dreg:$0xc] =	wrdreg s12  }
0x28: {  	v7 =	vadd.s32 $0x1003, v0;
	v8 =	vadd.s32 $0x1004, v0;
	v9 =	vadd.s32 $0x1005, v0;
	s5 =	simm.s32 @!p0 $0xD8;
	s23 =	simm.s32 $0x0;
	[dreg:$0xd] =	wrdreg s13  }
.LBB2_1:
0x29: {  	s0 =	simm.s32 $0xDB0;
	s2 =	simm.s32 $0xDA0;
	s1 =	simm.s32 $0xD90  }
0x2a: {  	s25 =	ssub.s32 s4, s0;
	s29 =	ssub.s32 s4, s2;
	s26 =	ssub.s32 s4, s1  }
0x2b: {  	[smem:$0x7F4] =	sst s23;
	v10 =	vadd.s32 s25, v3;
	s31 =	sadd.s32 $0x30, s25;
	v11 =	vadd.s32 s29, v3;
	v13 =	vadd.s32 s26, v3  }
0x2c: {  	s9 =	rddreg [dreg:$0x0];
	vm0 =	vgt.s32 v10, $0xFFFFFE01;
	v12 =	vadd.s32 s31, v3;
	vm1 =	vgt.s32 v11, $0xFFFFFE01  }
0x2d: {  	s10 =	simm.s32 $0x8;
	s19 =	simm.s32 $0x2;
	s18 =	simm.s32 $0x6D80;
	vm3 =	vgt.s32 v13, $0xFFFFFE01;
	vm2 =	vgt.s32 v12, $0xFFFFFE01;
	v11 =	vnsel vm1, $0xFFFFFE01, v11  }
0x2e: {  	s16 =	simm.s32 $0xDF0;
	s20 =	simm.s32 $0x0;
	s14 =	simm.s32 $0xDE0;
	v13 =	vnsel vm3, $0xFFFFFE01, v13;
	v10 =	vnsel vm0, $0xFFFFFE01, v10;
	vm1 =	vlt.s32 v11, $0x1FF  }
0x2f: {  	s21 =	simm.s32 $0xDD0;
	s13 =	simm.s32 $0x4;
	s23 =	simm.s32 $0x40;
	v12 =	vnsel vm2, $0xFFFFFE01, v12;
	vm8 =	vlt.s32 v13, $0x1FF;
	v11 =	vnsel vm1, $0x1FF, v11  }
0x30: {  	[tilespmem:s10], [sflag:$0x2] =	stream.linear.gather [hbm4b:s9+s3], $0x3FF, $0x38;
	vm2 =	vlt.s32 v12, $0x1FF;
	v13 =	vnsel vm8, $0x1FF, v13;
	v11 =	vadd.s32 $0x207, v11;
	[tilespmem:$0x10480] =	vst v63  }
0x31: {  	s24 =	ssub.s32 s4, s16;
	s11 =	ssub.s32 s4, s14;
	_ =	swait.ge [sflag:s19], $0x3FF;
	vm9 =	vlt.s32 v10, $0x1FF;
	v12 =	vnsel vm2, $0x1FF, v12;
	v14 =	vadd.s32 $0x207, v13  }
0x32: {  	s28 =	simm.s32 $0x6C00;
	s22 =	sadd.s32 $0x30, s24;
	[smem:$0x7F5] =	sst s11;
	v10 =	vnsel vm9, $0x1FF, v10;
	v12 =	vadd.s32 $0x207, v12  }
0x33: {  	s17 =	ssub.s32 s4, s21;
	[sflag:s19] =	ssyncset.done $0x0;
	[smem:$0x7F6] =	sst s22;
	v15 =	vadd.s32 $0x207, v10;
	v10 =	vadd.s32 s11, v3  }
0x34: {  	s30 =	simm.s32 $0x6C80;
	v17 =	vadd.s32 s17, v3;
	v16 =	vadd.s32 s22, v3;
	[smem:$0x7F7] =	sst s17;
	[sflag:s19] =	ssyncadd.s32 $0xFFFFFC01;
	vm11 =	vgt.s32 v10, $0xFFFFFE01  }
0x35: {  	s10 =	sand.u32 $0x40, s20;
	s12 =	sand.u32 $0x50, s1;
	s23 =	sand.u32 $0x40, s23;
	vm13 =	vgt.s32 v17, $0xFFFFFE01;
	v13 =	vadd.s32 s24, v3;
	v19 =	vnsel vm11, $0xFFFFFE01, v10;
	v18 =	vld.idx.msk [tilespmem:v11+s3+$0x0], $0xffff  }
0x36: {  	s20 =	sand.u32 $0xFC00, s28;
	s28 =	sand.u32 $0xFC00, s30;
	s30 =	sand.u32 $0xFC00, s18;
	vm12 =	vgt.s32 v16, $0xFFFFFE01;
	vm10 =	vgt.s32 v13, $0xFFFFFE01;
	vm1 =	vlt.s32 v19, $0x1FF;
	v14 =	vld.idx.msk [tilespmem:v14+s3+$0x0], $0xffff  }
0x37: {  	s9 =	sor.u32 s12, s28;
	s17 =	simm.s32 $0x6D00;
	v20 =	vnsel vm12, $0xFFFFFE01, v16;
	v16 =	vnsel vm1, $0x1FF, v19;
	v19 =	vnsel vm10, $0xFFFFFE01, v13;
	v13 =	vld.idx.msk [tilespmem:v12+s3+$0x0], $0xffff;
	[smem:$0x7F8] =	sst s10  }
0x38: {  	s19 =	sand.u32 $0x70, s0;
	s0 =	sand.u32 $0x70, s16;
	v17 =	vnsel vm13, $0xFFFFFE01, v17;
	[smem:$0x7F9] =	sst s20  }
0x39: {  	s22 =	sand.u32 $0xFC00, s17;
	s17 =	sor.u32 s10, s20;
	vm14 =	vlt.s32 v17, $0x1FF;
	[smem:$0x7FA] =	sst s12  }
0x3a: {  	v17 =	vnsel vm14, $0x1FF, v17;
	s11 =	sand.u32 $0x50, s21;
	vm2 =	vlt.s32 v20, $0x1FF;
	s21 =	sand.u32 $0x60, s2;
	v10 =	vld.idx.msk [tilespmem:v1+s3+$0x0], $0xffff;
	vm15 =	vlt.s32 v19, $0x1FF;
	[smem:$0x7FB] =	sst s19  }
0x3b: {  	s16 =	simm.s32 $0xDE0;
	s1 =	sor.u32 s19, s30;
	s21 =	sor.u32 s21, s22;
	v16 =	vadd.s32 $0x207, v16;
	v12 =	vnsel vm2, $0x1FF, v20;
	v19 =	vnsel vm15, $0x1FF, v19;
	v15 =	vld.idx.msk [tilespmem:v15+s3+$0x0], $0xffff  }
0x3c: {  	v17 =	vadd.s32 $0x207, v17;
	s2 =	simm.s32 $0x6D80;
	v11 =	vld.idx.msk [tilespmem:v2+s3+$0x0], $0xffff;
	s12 =	simm.s32 $0xE30;
	s19 =	smov.u32 s23;
	[tilespmem:s21+$0x480] =	vst v18;
	v18 =	vadd.s32 $0x207, v12;
	v12 =	vadd.s32 $0x207, v19  }
.LBB2_2:
0x3d: {  	s30 =	ssub.s32 s4, s12;
	s22 =	sadd.s32 $0xFFFFFFF0, s12;
	s13 =	sadd.s32 $0x4, s13  }
0x3e: {  	[tilespmem:s17+$0x480] =	vst v13;
	s10 =	smov.u32 s11;
	s28 =	smov.u32 s0;
	s0 =	sadd.s32 $0xFFFFFFE0, s12  }
0x3f: {  	s2 =	sadd.s32 $0x200, s2;
	s11 =	ssub.s32 s4, s22;
	v19 =	vadd.s32 s30, v3;
	p1 =	slt.u32 s13, $0x4C;
	[tilespmem:s9+$0x480] =	vst v14  }
0x40: {  	s9 =	sadd.s32 $0xFFFFF250, s12;
	s17 =	sadd.s32 $0x30, s30;
	s30 =	ssub.s32 s4, s0;
	v13 =	vadd.s32 s11, v3;
	vm0 =	vgt.s32 v19, $0xFFFFFE01;
	v20 =	vld.idx.msk [tilespmem:v16+s3+$0x0], $0xffff;
	[tilespmem:s1+$0x480] =	vst v15  }
0x41: {  	v14 =	vadd.s32 s17, v3;
	s20 =	sand.u32 $0x40, s9;
	v15 =	vadd.s32 s30, v3;
	s11 =	sand.u32 $0x50, s0;
	s0 =	sand.u32 $0x70, s12;
	vm1 =	vgt.s32 v13, $0xFFFFFE01  }
0x42: {  	s1 =	sadd.s32 $0xFFFFFE80, s2;
	vm2 =	vgt.s32 v14, $0xFFFFFE01;
	vm3 =	vgt.s32 v15, $0xFFFFFE01;
	v16 =	vnsel vm1, $0xFFFFFE01, v13;
	v13 =	vld.idx.msk [tilespmem:v18+s3+$0x0], $0xffff  }
.Ltmp0:
0x43: {  	s9 =	sadd.s32 $0xFFFFFF00, s2;
	s17 =	sadd.s32 $0xFFFFFF80, s2;
	v18 =	vnsel vm2, $0xFFFFFE01, v14;
	v21 =	vnsel vm3, $0xFFFFFE01, v15;
	vm1 =	vlt.s32 v16, $0x1FF;
	v14 =	vld.idx.msk [tilespmem:v17+s3+$0x0], $0xffff;
	(pc) =	sbr.rel @p1 .LBB2_2-.Ltmp0, $4  }
0x44: {  	s16 =	sand.u32 $0x60, s16;
	s1 =	sand.u32 $0xFC00, s1;
	s17 =	sand.u32 $0xFC00, s17;
	vm2 =	vlt.s32 v18, $0x1FF;
	v17 =	vnsel vm0, $0xFFFFFE01, v19;
	v16 =	vnsel vm1, $0x1FF, v16;
	v15 =	vld.idx.msk [tilespmem:v12+s3+$0x0], $0xffff  }
0x45: {  	s30 =	sand.u32 $0xFC00, s2;
	s9 =	sand.u32 $0xFC00, s9;
	s16 =	sor.u32 s16, s17;
	vm0 =	vlt.s32 v21, $0x1FF;
	vm1 =	vlt.s32 v17, $0x1FF;
	v16 =	vadd.s32 $0x207, v16  }
0x46: {  	s17 =	sor.u32 s19, s1;
	s9 =	sor.u32 s10, s9;
	s1 =	sor.u32 s28, s30;
	v12 =	vnsel vm2, $0x1FF, v18;
	v19 =	vnsel vm0, $0x1FF, v21;
	v21 =	vnsel vm1, $0x1FF, v17;
	[tilespmem:s16+$0x480] =	vst v20  }
0x47: {  	s12 =	sadd.s32 $0x40, s12;
	s19 =	smov.u32 s20;
	v18 =	vadd.s32 $0x207, v12;
	v17 =	vadd.s32 $0x207, v19;
	v12 =	vadd.s32 $0x207, v21;
	s16 =	smov.u32 s22  }
0x48: {  	_ =	sdelay $0x2  }
0x49: {  	v19 =	vadd.s32 s29, v4  }
0x4a: {  	v16 =	vld.idx.msk [tilespmem:v16+s3+$0x0], $0xffff;
	vm0 =	vgt.s32 v19, $0xFFFFFE01  }
0x4b: {  	v18 =	vld.idx.msk [tilespmem:v18+s3+$0x0], $0xffff;
	s2 =	sadd.s32 $0x200, s2;
	v19 =	vnsel vm0, $0xFFFFFE01, v19  }
0x4c: {  	[tilespmem:s17+$0x480] =	vst v13;
	v13 =	vld.idx.msk [tilespmem:v17+s3+$0x0], $0xffff;
	s10 =	sadd.s32 $0xFFFFFF80, s2;
	vm9 =	vlt.s32 v19, $0x1FF  }
0x4d: {  	[tilespmem:s9+$0x480] =	vst v14;
	s12 =	sand.u32 $0x60, s16;
	v12 =	vld.idx.msk [tilespmem:v12+s3+$0x0], $0xffff;
	s17 =	sadd.s32 $0xFFFFFE80, s2;
	s10 =	sand.u32 $0xFC00, s10;
	v14 =	vnsel vm9, $0x1FF, v19  }
0x4e: {  	v20 =	vadd.s32 s31, v4;
	[tilespmem:s1+$0x480] =	vst v15;
	s20 =	sadd.s32 $0xFFFFFF00, s2;
	s9 =	sand.u32 $0xFC00, s17;
	s10 =	sor.u32 s12, s10;
	v14 =	vadd.s32 $0x207, v14  }
0x4f: {  	v21 =	vadd.s32 s26, v4;
	vm1 =	vgt.s32 v20, $0xFFFFFE01;
	s1 =	sand.u32 $0xFC00, s20;
	s9 =	sor.u32 s19, s9;
	[tilespmem:s10+$0x480] =	vst v16  }
0x50: {  	v22 =	vadd.s32 s25, v4;
	vm7 =	vgt.s32 v21, $0xFFFFFE01;
	s2 =	sand.u32 $0xFC00, s2;
	v20 =	vnsel vm1, $0xFFFFFE01, v20;
	s1 =	sor.u32 s11, s1;
	[tilespmem:s9+$0x480] =	vst v18  }
0x51: {  	vm8 =	vgt.s32 v22, $0xFFFFFE01;
	v17 =	vnsel vm7, $0xFFFFFE01, v21;
	s0 =	sor.u32 s0, s2;
	vm2 =	vlt.s32 v20, $0x1FF;
	[tilespmem:s1+$0x480] =	vst v13  }
0x52: {  	vm10 =	vlt.s32 v17, $0x1FF;
	v19 =	vnsel vm8, $0xFFFFFE01, v22;
	v15 =	vnsel vm2, $0x1FF, v20;
	s1 =	sld [smem:$0x7F5];
	[tilespmem:s0+$0x480] =	vst v12  }
0x53: {  	vm1 =	vlt.s32 v19, $0x1FF;
	v16 =	vnsel vm10, $0x1FF, v17;
	v18 =	vadd.s32 s24, v4;
	s0 =	sld [smem:$0x7F6];
	v14 =	vld.idx.msk [tilespmem:v14+s3+$0x0], $0xffff  }
0x54: {  	v15 =	vadd.s32 $0x207, v15;
	v17 =	vnsel vm1, $0x1FF, v19;
	vm11 =	vgt.s32 v18, $0xFFFFFE01;
	s22 =	sld [smem:$0x7F7]  }
0x55: {  	v13 =	vadd.s32 $0x207, v17;
	v18 =	vnsel vm11, $0xFFFFFE01, v18;
	v17 =	vadd.s32 s1, v4  }
0x56: {  	v16 =	vadd.s32 $0x207, v16;
	s9 =	sld [smem:$0x7F8];
	vm15 =	vlt.s32 v18, $0x1FF;
	vm12 =	vgt.s32 v17, $0xFFFFFE01  }
0x57: {  	s29 =	sld [smem:$0x7F9];
	v12 =	vadd.s32 s0, v4;
	v19 =	vadd.s32 s22, v4;
	v17 =	vnsel vm12, $0xFFFFFE01, v17  }
0x58: {  	s25 =	simm.s32 $0xDF0;
	s30 =	sld [smem:$0x7FA];
	vm13 =	vgt.s32 v12, $0xFFFFFE01;
	vm3 =	vgt.s32 v19, $0xFFFFFE01;
	vm1 =	vlt.s32 v17, $0x1FF;
	[tilespmem:s21+$0x500] =	vst v14  }
0x59: {  	s26 =	simm.s32 $0x6C80;
	s24 =	simm.s32 $0xDD0;
	v20 =	vnsel vm13, $0xFFFFFE01, v12;
	v19 =	vnsel vm3, $0xFFFFFE01, v19;
	v12 =	vnsel vm1, $0x1FF, v17;
	s31 =	sld [smem:$0x7FB]  }
0x5a: {  	s28 =	sand.u32 $0xFC80, s18;
	s11 =	simm.s32 $0x4;
	s10 =	sand.u32 $0x50, s24;
	v15 =	vld.idx.msk [tilespmem:v15+s3+$0x0], $0xffff;
	vm2 =	vlt.s32 v20, $0x1FF;
	vm14 =	vlt.s32 v19, $0x1FF;
	v17 =	vadd.s32 $0x207, v12  }
0x5b: {  	s1 =	sand.u32 $0xFC80, s26;
	s0 =	sand.u32 $0x70, s25;
	s20 =	sor.u32 s9, s29;
	v12 =	vld.idx.msk [tilespmem:v16+s3+$0x0], $0xffff;
	v16 =	vnsel vm2, $0x1FF, v20;
	v19 =	vnsel vm14, $0x1FF, v19;
	v20 =	vnsel vm15, $0x1FF, v18  }
0x5c: {  	s19 =	sor.u32 s30, s1;
	s1 =	simm.s32 $0xE30;
	v13 =	vld.idx.msk [tilespmem:v13+s3+$0x0], $0xffff;
	v18 =	vadd.s32 $0x207, v16;
	v16 =	vadd.s32 $0x207, v19;
	v14 =	vadd.s32 $0x207, v20;
	s12 =	sor.u32 s31, s28  }
.LBB2_4:
0x5d: {  	s9 =	ssub.s32 s4, s1  }
0x5e: {  	s2 =	sadd.s32 $0xFFFFFFF0, s1;
	s11 =	sadd.s32 $0x4, s11;
	s13 =	smov.u32 s23  }
0x5f: {  	[tilespmem:s20+$0x500] =	vst v15;
	s16 =	smov.u32 s10;
	s17 =	smov.u32 s0;
	s0 =	sadd.s32 $0xFFFFFFE0, s1  }
0x60: {  	s18 =	sadd.s32 $0x200, s18;
	s10 =	ssub.s32 s4, s2;
	v19 =	vadd.s32 s9, v4;
	p1 =	slt.u32 s11, $0x4C;
	[tilespmem:s19+$0x480] =	vst v12  }
0x61: {  	s19 =	sadd.s32 $0xFFFFF250, s1;
	s9 =	sadd.s32 $0x30, s9;
	s20 =	ssub.s32 s4, s0;
	v12 =	vadd.s32 s10, v4;
	vm0 =	vgt.s32 v19, $0xFFFFFE01;
	v20 =	vld.idx.msk [tilespmem:v17+s3+$0x0], $0xffff;
	[tilespmem:s12+$0x480] =	vst v13  }
0x62: {  	v13 =	vadd.s32 s9, v4;
	s23 =	sand.u32 $0x40, s19;
	v17 =	vadd.s32 s20, v4;
	s10 =	sand.u32 $0x50, s0;
	s0 =	sand.u32 $0x70, s1;
	vm1 =	vgt.s32 v12, $0xFFFFFE01  }
0x63: {  	s9 =	sadd.s32 $0xFFFFFE80, s18;
	vm2 =	vgt.s32 v13, $0xFFFFFE01;
	vm3 =	vgt.s32 v17, $0xFFFFFE01;
	v21 =	vnsel vm1, $0xFFFFFE01, v12;
	v15 =	vld.idx.msk [tilespmem:v18+s3+$0x0], $0xffff  }
.Ltmp1:
0x64: {  	s12 =	sadd.s32 $0xFFFFFF00, s18;
	s19 =	sadd.s32 $0xFFFFFF80, s18;
	v18 =	vnsel vm2, $0xFFFFFE01, v13;
	v22 =	vnsel vm3, $0xFFFFFE01, v17;
	vm1 =	vlt.s32 v21, $0x1FF;
	v12 =	vld.idx.msk [tilespmem:v16+s3+$0x0], $0xffff;
	(pc) =	sbr.rel @p1 .LBB2_4-.Ltmp1, $4  }
0x65: {  	s14 =	sand.u32 $0x60, s14;
	v19 =	vnsel vm0, $0xFFFFFE01, v19;
	s9 =	sand.u32 $0xFC00, s9;
	s19 =	sand.u32 $0xFC00, s19;
	vm2 =	vlt.s32 v18, $0x1FF;
	v16 =	vnsel vm1, $0x1FF, v21;
	v13 =	vld.idx.msk [tilespmem:v14+s3+$0x0], $0xffff  }
0x66: {  	s21 =	sand.u32 $0xFC80, s18;
	s12 =	sand.u32 $0xFC80, s12;
	s14 =	sor.u32 s14, s19;
	vm0 =	vlt.s32 v22, $0x1FF;
	vm1 =	vlt.s32 v19, $0x1FF;
	v17 =	vadd.s32 $0x207, v16  }
0x67: {  	s20 =	sor.u32 s13, s9;
	s19 =	sor.u32 s16, s12;
	s12 =	sor.u32 s17, s21;
	v14 =	vnsel vm2, $0x1FF, v18;
	v16 =	vnsel vm0, $0x1FF, v22;
	v19 =	vnsel vm1, $0x1FF, v19;
	[tilespmem:s14+$0x500] =	vst v20  }
0x68: {  	s1 =	sadd.s32 $0x40, s1;
	s13 =	simm.s32 $0xDB0;
	v18 =	vadd.s32 $0x207, v14;
	v16 =	vadd.s32 $0x207, v16;
	v14 =	vadd.s32 $0x207, v19;
	s14 =	smov.u32 s2  }
0x69: {  	_ =	sdelay $0x3  }
0x6a: {  	s16 =	simm.s32 $0xDA0;
	s1 =	ssub.s32 s4, s13;
	v17 =	vld.idx.msk [tilespmem:v17+s3+$0x0], $0xffff;
	[tilespmem:s20+$0x500] =	vst v15  }
0x6b: {  	s2 =	simm.s32 $0xD90;
	v15 =	vld.idx.msk [tilespmem:v16+s3+$0x0], $0xffff;
	[tilespmem:s19+$0x480] =	vst v12;
	s24 =	ssub.s32 s4, s16;
	s17 =	sadd.s32 $0x30, s1  }
0x6c: {  	s11 =	sadd.s32 $0x200, s18;
	s14 =	sand.u32 $0x60, s14;
	v12 =	vld.idx.msk [tilespmem:v14+s3+$0x0], $0xffff;
	s9 =	ssub.s32 s4, s2;
	v14 =	vadd.s32 s1, v5;
	v19 =	vadd.s32 s24, v5;
	v20 =	vadd.s32 s17, v5  }
0x6d: {  	v18 =	vld.idx.msk [tilespmem:v18+s3+$0x0], $0xffff;
	s31 =	simm.s32 $0x0;
	p1 =	por $0x1, $0x1;
	s21 =	sadd.s32 $0xFFFFFF80, s11;
	v16 =	vadd.s32 s9, v5;
	vm1 =	vgt.s32 v14, $0xFFFFFE01;
	vm0 =	vgt.s32 v19, $0xFFFFFE01  }
0x6e: {  	s18 =	sadd.s32 $0xFFFFFE80, s11;
	s22 =	sadd.s32 $0xFFFFFF00, s11;
	s25 =	sand.u32 $0xFC00, s21;
	vm11 =	vgt.s32 v20, $0xFFFFFE01;
	vm12 =	vgt.s32 v16, $0xFFFFFE01;
	v19 =	vnsel vm0, $0xFFFFFE01, v19  }
.Ltmp2:
0x6f: {  	[tilespmem:s12+$0x480] =	vst v13;
	s30 =	sand.u32 $0xFC80, s22;
	s26 =	sor.u32 s14, s25;
	v20 =	vnsel vm11, $0xFFFFFE01, v20;
	v13 =	vnsel vm12, $0xFFFFFE01, v16;
	vm13 =	vlt.s32 v19, $0x1FF;
	(pc) =	sbr.rel @!p1 .LBB2_6-.Ltmp2, $4  }
0x70: {  	s28 =	simm.s32 $0xDF0;
	s18 =	sand.u32 $0xFC00, s18;
	s10 =	sor.u32 s10, s30;
	[tilespmem:s26+$0x500] =	vst v17;
	vm14 =	vlt.s32 v20, $0x1FF;
	v17 =	vnsel vm1, $0xFFFFFE01, v14;
	vm15 =	vlt.s32 v13, $0x1FF  }
0x71: {  	p2 =	por $0x0, $0x0;
	s11 =	sand.u32 $0xFC80, s11;
	s29 =	sor.u32 s23, s18;
	[tilespmem:s10+$0x480] =	vst v15;
	v16 =	vnsel vm13, $0x1FF, v19;
	vm2 =	vlt.s32 v17, $0x1FF;
	v15 =	vnsel vm14, $0x1FF, v20  }
0x72: {  	s19 =	sand.u32 $0x50, s2;
	s0 =	sor.u32 s0, s11;
	s22 =	sand.u32 $0x40, s31;
	[tilespmem:s29+$0x500] =	vst v18;
	v13 =	vnsel vm15, $0x1FF, v13;
	v14 =	vadd.s32 $0x207, v16;
	v16 =	vnsel vm2, $0x1FF, v17  }
0x73: {  	s23 =	simm.s32 $0xFFFFFFFC;
	s18 =	simm.s32 $0x6D80;
	s14 =	sand.u32 $0x70, s13;
	[tilespmem:s0+$0x480] =	vst v12;
	v15 =	vadd.s32 $0x207, v15;
	v13 =	vadd.s32 $0x207, v13;
	v12 =	vadd.s32 $0x207, v16  }
0x74: {  	s2 =	ssub.s32 s4, s28;
	s0 =	simm.s32 $0xDE0  }
0x75: {  	s10 =	simm.s32 $0xDD0;
	s11 =	ssub.s32 s4, s0;
	v17 =	vadd.s32 s2, v5  }
0x76: {  	p4 =	por $0x1, $0x1;
	s2 =	sadd.s32 $0x30, s2;
	s12 =	ssub.s32 s4, s10;
	v16 =	vadd.s32 s11, v5;
	vm0 =	vgt.s32 v17, $0xFFFFFE01  }
0x77: {  	s13 =	simm.s32 $0x40;
	s29 =	simm.s32 $0x6C00;
	s30 =	simm.s32 $0x6C80;
	v18 =	vadd.s32 s2, v5;
	v19 =	vadd.s32 s12, v5;
	vm1 =	vgt.s32 v16, $0xFFFFFE01  }
0x78: {  	v20 =	vld.idx.msk [tilespmem:v14+s3+$0x0], $0xffff;
	s21 =	simm.s32 $0x6D00;
	s23 =	sand.u32 $0x60, s16;
	s31 =	sand.u32 $0xFD00, s18;
	vm2 =	vgt.s32 v18, $0xFFFFFE01;
	vm3 =	vgt.s32 v19, $0xFFFFFE01;
	v14 =	vnsel vm1, $0xFFFFFE01, v16  }
.Ltmp3:
0x79: {  	p3 =	por $0x1, $0x1;
	s20 =	sand.u32 $0x40, s13;
	v21 =	vnsel vm2, $0xFFFFFE01, v18;
	v19 =	vnsel vm3, $0xFFFFFE01, v19;
	v16 =	vld.idx.msk [tilespmem:v15+s3+$0x0], $0xffff;
	v15 =	vnsel vm0, $0xFFFFFE01, v17;
	(pc) =	sbr.rel @!p4 .LBB2_8-.Ltmp3, $4  }
0x7a: {  	s21 =	sand.u32 $0xFD00, s21;
	s13 =	sand.u32 $0xFC00, s30;
	s11 =	simm.s32 $0x4;
	v17 =	vld.idx.msk [tilespmem:v13+s3+$0x0], $0xffff;
	vm1 =	vlt.s32 v14, $0x1FF;
	vm2 =	vlt.s32 v21, $0x1FF;
	vm14 =	vlt.s32 v19, $0x1FF  }
0x7b: {  	s12 =	sand.u32 $0x50, s10;
	s10 =	sand.u32 $0x70, s28;
	s2 =	sand.u32 $0xFC00, s29;
	v18 =	vld.idx.msk [tilespmem:v12+s3+$0x0], $0xffff;
	vm15 =	vlt.s32 v15, $0x1FF;
	v14 =	vnsel vm1, $0x1FF, v14;
	v12 =	vnsel vm2, $0x1FF, v21  }
0x7c: {  	s23 =	sor.u32 s23, s21;
	s25 =	sor.u32 s19, s13;
	s21 =	sor.u32 s14, s31;
	v13 =	vnsel vm14, $0x1FF, v19;
	v19 =	vnsel vm15, $0x1FF, v15;
	v14 =	vadd.s32 $0x207, v14  }
0x7d: {  	s13 =	simm.s32 $0xE30;
	s26 =	sor.u32 s22, s2;
	s2 =	simm.s32 $0x6D80;
	[tilespmem:s23+$0x480] =	vst v20;
	v15 =	vadd.s32 $0x207, v12;
	v13 =	vadd.s32 $0x207, v13;
	v12 =	vadd.s32 $0x207, v19  }
.LBB2_9:
0x7e: {  	s28 =	ssub.s32 s4, s13;
	s23 =	sadd.s32 $0xFFFFFFF0, s13;
	s11 =	sadd.s32 $0x4, s11  }
0x7f: {  	[tilespmem:s26+$0x580] =	vst v16;
	s29 =	smov.u32 s12;
	s31 =	smov.u32 s10;
	s10 =	sadd.s32 $0xFFFFFFE0, s13  }
0x80: {  	s2 =	sadd.s32 $0x200, s2;
	s12 =	ssub.s32 s4, s23;
	v19 =	vadd.s32 s28, v5;
	p4 =	slt.u32 s11, $0x4C;
	[tilespmem:s25+$0x580] =	vst v17  }
0x81: {  	s25 =	sadd.s32 $0xFFFFF250, s13;
	s26 =	sadd.s32 $0x30, s28;
	s28 =	ssub.s32 s4, s10;
	v16 =	vadd.s32 s12, v5;
	vm0 =	vgt.s32 v19, $0xFFFFFE01;
	v20 =	vld.idx.msk [tilespmem:v14+s3+$0x0], $0xffff;
	[tilespmem:s21+$0x480] =	vst v18  }
0x82: {  	v14 =	vadd.s32 s26, v5;
	s30 =	sand.u32 $0x40, s25;
	v17 =	vadd.s32 s28, v5;
	s12 =	sand.u32 $0x50, s10;
	s10 =	sand.u32 $0x70, s13;
	vm1 =	vgt.s32 v16, $0xFFFFFE01  }
0x83: {  	s21 =	sadd.s32 $0xFFFFFE80, s2;
	vm2 =	vgt.s32 v14, $0xFFFFFE01;
	vm3 =	vgt.s32 v17, $0xFFFFFE01;
	v18 =	vnsel vm1, $0xFFFFFE01, v16;
	v16 =	vld.idx.msk [tilespmem:v15+s3+$0x0], $0xffff  }
.Ltmp4:
0x84: {  	s25 =	sadd.s32 $0xFFFFFF00, s2;
	s26 =	sadd.s32 $0xFFFFFF80, s2;
	v15 =	vnsel vm2, $0xFFFFFE01, v14;
	v21 =	vnsel vm3, $0xFFFFFE01, v17;
	vm1 =	vlt.s32 v18, $0x1FF;
	v17 =	vld.idx.msk [tilespmem:v13+s3+$0x0], $0xffff;
	(pc) =	sbr.rel @p4 .LBB2_9-.Ltmp4, $4  }
0x85: {  	s0 =	sand.u32 $0x60, s0;
	v19 =	vnsel vm0, $0xFFFFFE01, v19;
	s21 =	sand.u32 $0xFC00, s21;
	s26 =	sand.u32 $0xFD00, s26;
	vm2 =	vlt.s32 v15, $0x1FF;
	v13 =	vnsel vm1, $0x1FF, v18;
	v18 =	vld.idx.msk [tilespmem:v12+s3+$0x0], $0xffff  }
0x86: {  	s28 =	sand.u32 $0xFD00, s2;
	s25 =	sand.u32 $0xFC00, s25;
	s0 =	sor.u32 s0, s26;
	vm0 =	vlt.s32 v21, $0x1FF;
	vm1 =	vlt.s32 v19, $0x1FF;
	v14 =	vadd.s32 $0x207, v13  }
0x87: {  	s26 =	sor.u32 s20, s21;
	s25 =	sor.u32 s29, s25;
	s21 =	sor.u32 s31, s28;
	v12 =	vnsel vm2, $0x1FF, v15;
	v13 =	vnsel vm0, $0x1FF, v21;
	v19 =	vnsel vm1, $0x1FF, v19;
	[tilespmem:s0+$0x480] =	vst v20  }
0x88: {  	s13 =	sadd.s32 $0x40, s13;
	s20 =	smov.u32 s30;
	v15 =	vadd.s32 $0x207, v12;
	v13 =	vadd.s32 $0x207, v13;
	v12 =	vadd.s32 $0x207, v19;
	s0 =	smov.u32 s23  }
0x89: {  	s23 =	simm.s32 $0xFFFFFFFC;
	s28 =	simm.s32 $0xDF0  }
.LBB2_11:
0x8a: {  	_ =	sdelay $0x3  }
0x8b: {  	v14 =	vld.idx.msk [tilespmem:v14+s3+$0x0], $0xffff;
	s2 =	sadd.s32 @p3 $0x200, s2;
	v19 =	vadd.s32 s24, v6;
	s11 =	simm.s32 $0x6D80  }
0x8c: {  	v15 =	vld.idx.msk [tilespmem:v15+s3+$0x0], $0xffff;
	v20 =	vadd.s32 s17, v6;
	[tilespmem:s26+$0x580] =	vst @p3 v16;
	v16 =	vadd.s32 s9, v6;
	s11 =	smov.u32 @p3 s2  }
0x8d: {  	v13 =	vld.idx.msk [tilespmem:v13+s3+$0x0], $0xffff;
	[tilespmem:s25+$0x580] =	vst @p3 v17;
	s0 =	sand.u32 $0x60, s0;
	v17 =	vadd.s32 s1, v6;
	vm0 =	vgt.s32 v19, $0xFFFFFE01;
	vm11 =	vgt.s32 v20, $0xFFFFFE01;
	s2 =	sadd.s32 $0xFFFFFF80, s11  }
0x8e: {  	v12 =	vld.idx.msk [tilespmem:v12+s3+$0x0], $0xffff;
	vm12 =	vgt.s32 v16, $0xFFFFFE01;
	vm1 =	vgt.s32 v17, $0xFFFFFE01;
	v19 =	vnsel vm0, $0xFFFFFE01, v19;
	s24 =	sadd.s32 $0xFFFFFE80, s11;
	s25 =	sadd.s32 $0xFFFFFF00, s11;
	s2 =	sand.u32 $0xFD00, s2  }
.Ltmp5:
0x8f: {  	[tilespmem:s21+$0x480] =	vst @p3 v18;
	v20 =	vnsel vm11, $0xFFFFFE01, v20;
	v16 =	vnsel vm12, $0xFFFFFE01, v16;
	v17 =	vnsel vm1, $0xFFFFFE01, v17;
	s9 =	sand.u32 $0xFC00, s24;
	s0 =	sor.u32 s0, s2;
	(pc) =	sbr.rel @!p1 .LBB2_12-.Ltmp5, $4  }
0x90: {  	vm13 =	vlt.s32 v19, $0x1FF;
	s26 =	sand.u32 $0xFC00, s25;
	vm14 =	vlt.s32 v20, $0x1FF;
	vm2 =	vlt.s32 v17, $0x1FF;
	s29 =	sor.u32 s20, s9;
	[tilespmem:s0+$0x480] =	vst v14  }
0x91: {  	s30 =	sand.u32 $0xFD00, s11;
	vm15 =	vlt.s32 v16, $0x1FF;
	v17 =	vnsel vm2, $0x1FF, v17;
	v14 =	vnsel vm13, $0x1FF, v19;
	s0 =	sor.u32 s12, s26;
	[tilespmem:s29+$0x580] =	vst v15  }
0x92: {  	s31 =	sor.u32 s10, s30;
	v15 =	vadd.s32 $0x207, v14;
	[tilespmem:s0+$0x580] =	vst v13;
	v13 =	vnsel vm14, $0x1FF, v20;
	v14 =	vnsel vm15, $0x1FF, v16  }
0x93: {  	s17 =	simm.s32 $0xDB0;
	[tilespmem:s31+$0x480] =	vst v12;
	v12 =	vadd.s32 $0x207, v17;
	v16 =	vadd.s32 $0x207, v13;
	v13 =	vadd.s32 $0x207, v14  }
0x94: {  	_ =	sdelay $0x1  }
0x95: {  	s0 =	ssub.s32 s4, s28;
	s9 =	simm.s32 $0xDE0  }
0x96: {  	s2 =	simm.s32 $0xDD0;
	s1 =	ssub.s32 s4, s9;
	v14 =	vadd.s32 s0, v6  }
0x97: {  	v17 =	vld.idx.msk [tilespmem:v15+s3+$0x0], $0xffff;
	p3 =	por $0x1, $0x1;
	s10 =	sadd.s32 $0x30, s0;
	s11 =	ssub.s32 s4, s2;
	v15 =	vadd.s32 s1, v6;
	vm0 =	vgt.s32 v14, $0xFFFFFE01  }
0x98: {  	s24 =	simm.s32 $0x40;
	v16 =	vld.idx.msk [tilespmem:v16+s3+$0x0], $0xffff;
	s25 =	simm.s32 $0x6D00;
	s26 =	simm.s32 $0x6C00;
	v18 =	vadd.s32 s10, v6;
	v19 =	vadd.s32 s11, v6;
	vm1 =	vgt.s32 v15, $0xFFFFFE01  }
0x99: {  	v20 =	vld.idx.msk [tilespmem:v13+s3+$0x0], $0xffff;
	s12 =	sand.u32 $0x60, s16;
	s13 =	simm.s32 $0x6C80;
	s30 =	sand.u32 $0xFD80, s18;
	vm2 =	vgt.s32 v18, $0xFFFFFE01;
	vm3 =	vgt.s32 v19, $0xFFFFFE01;
	v15 =	vnsel vm1, $0xFFFFFE01, v15  }
.Ltmp6:
0x9a: {  	s10 =	sand.u32 $0x50, s2;
	s2 =	sand.u32 $0xFC00, s25;
	v13 =	vnsel vm2, $0xFFFFFE01, v18;
	v18 =	vnsel vm3, $0xFFFFFE01, v19;
	vm1 =	vlt.s32 v15, $0x1FF;
	(pc) =	sbr.rel @!p3 .LBB2_14-.Ltmp6, $4  }
0x9b: {  	p1 =	por $0x1, $0x1;
	s11 =	sand.u32 $0xFC00, s26;
	s2 =	sor.u32 s12, s2;
	v19 =	vnsel vm0, $0xFFFFFE01, v14;
	v14 =	vld.idx.msk [tilespmem:v12+s3+$0x0], $0xffff;
	vm2 =	vlt.s32 v13, $0x1FF;
	v15 =	vnsel vm1, $0x1FF, v15  }
0x9c: {  	s0 =	simm.s32 $0x4;
	s29 =	sand.u32 $0xFC00, s13;
	s11 =	sor.u32 s22, s11;
	vm14 =	vlt.s32 v18, $0x1FF;
	vm15 =	vlt.s32 v19, $0x1FF;
	[tilespmem:s2+$0x600] =	vst v17;
	v15 =	vadd.s32 $0x207, v15  }
0x9d: {  	s13 =	sand.u32 $0x70, s28;
	s1 =	sand.u32 $0x40, s24;
	s31 =	sor.u32 s19, s29;
	[tilespmem:s11+$0x600] =	vst v16;
	v12 =	vnsel vm2, $0x1FF, v13;
	v13 =	vnsel vm14, $0x1FF, v18;
	v17 =	vnsel vm15, $0x1FF, v19  }
0x9e: {  	s12 =	sor.u32 s14, s30;
	s2 =	simm.s32 $0xE30;
	[tilespmem:s31+$0x600] =	vst v20;
	s11 =	simm.s32 $0x6D80;
	v16 =	vadd.s32 $0x207, v12;
	v13 =	vadd.s32 $0x207, v13;
	v12 =	vadd.s32 $0x207, v17  }
.LBB2_15:
0x9f: {  	s14 =	ssub.s32 s4, s2;
	s16 =	sadd.s32 $0xFFFFFFF0, s2  }
0xa0: {  	s0 =	sadd.s32 $0x4, s0;
	[tilespmem:s12+$0x480] =	vst v14;
	s12 =	smov.u32 s13;
	s13 =	sadd.s32 $0xFFFFFFE0, s2  }
0xa1: {  	s20 =	sadd.s32 $0xFFFFF250, s2;
	s19 =	ssub.s32 s4, s16;
	v17 =	vadd.s32 s14, v6;
	p3 =	slt.u32 s0, $0x4C;
	v18 =	vld.idx.msk [tilespmem:v15+s3+$0x0], $0xffff  }
0xa2: {  	s11 =	sadd.s32 $0x200, s11;
	s14 =	sadd.s32 $0x30, s14;
	s21 =	ssub.s32 s4, s13;
	v14 =	vadd.s32 s19, v6;
	vm0 =	vgt.s32 v17, $0xFFFFFE01  }
0xa3: {  	s9 =	sand.u32 $0x60, s9;
	v15 =	vadd.s32 s14, v6;
	s14 =	sand.u32 $0x40, s20;
	v19 =	vadd.s32 s21, v6;
	s19 =	sand.u32 $0x50, s13;
	vm1 =	vgt.s32 v14, $0xFFFFFE01;
	v20 =	vld.idx.msk [tilespmem:v16+s3+$0x0], $0xffff  }
0xa4: {  	s13 =	sadd.s32 $0xFFFFFE80, s11;
	s20 =	sadd.s32 $0xFFFFFF00, s11;
	s21 =	sadd.s32 $0xFFFFFF80, s11;
	vm2 =	vgt.s32 v15, $0xFFFFFE01;
	vm3 =	vgt.s32 v19, $0xFFFFFE01;
	v16 =	vnsel vm1, $0xFFFFFE01, v14;
	v21 =	vld.idx.msk [tilespmem:v13+s3+$0x0], $0xffff  }
0xa5: {  	s22 =	sand.u32 $0xFC00, s13;
	s21 =	sand.u32 $0xFC00, s21;
	s13 =	sand.u32 $0x70, s2;
	v13 =	vnsel vm2, $0xFFFFFE01, v15;
	v19 =	vnsel vm3, $0xFFFFFE01, v19;
	vm1 =	vlt.s32 v16, $0x1FF;
	v14 =	vld.idx.msk [tilespmem:v12+s3+$0x0], $0xffff  }
.Ltmp7:
0xa6: {  	s20 =	sand.u32 $0xFC00, s20;
	s9 =	sor.u32 s9, s21;
	vm2 =	vlt.s32 v13, $0x1FF;
	v12 =	vnsel vm1, $0x1FF, v16;
	v16 =	vnsel vm0, $0xFFFFFE01, v17;
	(pc) =	sbr.rel @p3 .LBB2_15-.Ltmp7, $4  }
0xa7: {  	s21 =	sor.u32 s1, s22;
	s20 =	sor.u32 s10, s20;
	s1 =	sand.u32 $0xFD80, s11;
	vm0 =	vlt.s32 v19, $0x1FF;
	v15 =	vadd.s32 $0x207, v12;
	vm1 =	vlt.s32 v16, $0x1FF;
	[tilespmem:s9+$0x600] =	vst v18  }
0xa8: {  	s12 =	sor.u32 s12, s1;
	s1 =	smov.u32 s14;
	v12 =	vnsel vm2, $0x1FF, v13;
	v13 =	vnsel vm0, $0x1FF, v19;
	s9 =	smov.u32 s16;
	v17 =	vnsel vm1, $0x1FF, v16  }
0xa9: {  	s10 =	smov.u32 s19;
	v16 =	vadd.s32 $0x207, v12;
	v13 =	vadd.s32 $0x207, v13;
	v12 =	vadd.s32 $0x207, v17;
	[tilespmem:s21+$0x600] =	vst v20  }
0xaa: {  	s2 =	sadd.s32 $0x40, s2;
	[tilespmem:s20+$0x600] =	vst v21  }
0xab: {  	s14 =	smov.u32 s13  }
0xac: {  	s16 =	smov.u32 s9;
	s22 =	smov.u32 s1;
	s19 =	smov.u32 s10  }
.LBB2_17:
0xad: {  	_ =	sdelay $0x1  }
0xae: {  	s0 =	sadd.s32 @p1 $0x200, s11  }
0xaf: {  	s30 =	sadd.s32 $0xFFFFFFF0, s17;
	s2 =	sadd.s32 $0xFFFFFFE0, s17;
	s1 =	smov.u32 s18  }
0xb0: {  	v15 =	vld.idx.msk [tilespmem:v15+s3+$0x0], $0xffff;
	s24 =	ssub.s32 s4, s17;
	s21 =	sand.u32 $0x60, s16;
	s9 =	ssub.s32 s4, s30  }
0xb1: {  	v16 =	vld.idx.msk [tilespmem:v16+s3+$0x0], $0xffff;
	s10 =	ssub.s32 s4, s2;
	s1 =	smov.u32 @p1 s0;
	s25 =	sadd.s32 $0x30, s24  }
0xb2: {  	v12 =	vld.idx.msk [tilespmem:v12+s3+$0x0], $0xffff;
	v17 =	vadd.s32 s24, v7;
	v18 =	vadd.s32 s9, v7;
	v19 =	vadd.s32 s10, v7;
	s0 =	sadd.s32 $0xFFFFFE80, s1;
	s20 =	sadd.s32 $0xFFFFFF80, s1;
	s26 =	sadd.s32 $0xFFFFFF00, s1  }
0xb3: {  	v13 =	vld.idx.msk [tilespmem:v13+s3+$0x0], $0xffff;
	vm0 =	vgt.s32 v17, $0xFFFFFE01;
	v20 =	vadd.s32 s25, v7;
	s29 =	sand.u32 $0xFD80, s1;
	s1 =	sadd.s32 $0x4, s23;
	vm1 =	vgt.s32 v18, $0xFFFFFE01;
	s10 =	sand.u32 $0xFC00, s20  }
0xb4: {  	[tilespmem:s12+$0x480] =	vst @p1 v14;
	v17 =	vnsel vm0, $0xFFFFFE01, v17;
	s0 =	sand.u32 $0xFC00, s0;
	vm11 =	vgt.s32 v20, $0xFFFFFE01;
	vm12 =	vgt.s32 v19, $0xFFFFFE01;
	p3 =	slt.u32 s1, $0x4C;
	s10 =	sor.u32 s21, s10  }
.Ltmp8:
0xb5: {  	v18 =	vnsel vm1, $0xFFFFFE01, v18;
	s0 =	sor.u32 s22, s0;
	v14 =	vnsel vm11, $0xFFFFFE01, v20;
	v19 =	vnsel vm12, $0xFFFFFE01, v19;
	[tilespmem:s10+$0x600] =	vst v15;
	(pc) =	sbr.rel @!p3 .LBB2_18-.Ltmp8, $4  }
0xb6: {  	s28 =	sand.u32 $0xFC00, s26;
	s31 =	sor.u32 s14, s29;
	vm15 =	vlt.s32 v17, $0x1FF;
	vm1 =	vlt.s32 v18, $0x1FF;
	vm13 =	vlt.s32 v14, $0x1FF;
	[tilespmem:s0+$0x600] =	vst v16  }
0xb7: {  	s10 =	sor.u32 s19, s28;
	vm14 =	vlt.s32 v19, $0x1FF;
	v16 =	vnsel vm15, $0x1FF, v17;
	[tilespmem:s31+$0x480] =	vst v12;
	v15 =	vnsel vm1, $0x1FF, v18  }
0xb8: {  	s16 =	sand.u32 $0x70, s17;
	s13 =	sand.u32 $0x50, s2;
	s22 =	simm.s32 $0x1;
	v14 =	vnsel vm13, $0x1FF, v14;
	[tilespmem:s10+$0x600] =	vst v13;
	v13 =	vnsel vm14, $0x1FF, v19;
	v12 =	vadd.s32 $0x207, v16  }
0xb9: {  	p1 =	por $0x0, $0x0;
	s14 =	sadd.s32 $0x40, s17;
	s22 =	simm.s32 @!p2 $0x0;
	v15 =	vadd.s32 $0x207, v15;
	v14 =	vadd.s32 $0x207, v14;
	v13 =	vadd.s32 $0x207, v13  }
0xba: {  	_ = 	snop  }
0xbb: {  	s2 =	ssub.s32 s4, s14;
	s0 =	sadd.s32 $0xFFFFFFF0, s14  }
0xbc: {  	s11 =	sadd.s32 $0x4, s1;
	s17 =	sadd.s32 $0xFFFFFFE0, s14;
	s10 =	ssub.s32 s4, s0;
	v16 =	vadd.s32 s2, v7  }
0xbd: {  	s12 =	simm.s32 $0x0;
	s2 =	sadd.s32 $0x30, s2;
	s28 =	ssub.s32 s4, s17;
	v17 =	vadd.s32 s10, v7;
	vm0 =	vgt.s32 v16, $0xFFFFFE01  }
0xbe: {  	s29 =	sshll.u32 s22, $0x6;
	s19 =	sadd.s32 $0xFFFFFF00, s18;
	s20 =	sadd.s32 $0xFFFFFF80, s18;
	v20 =	vld.idx.msk [tilespmem:v15+s12+$0x0], $0xffff;
	v18 =	vadd.s32 s2, v7;
	v15 =	vadd.s32 s28, v7;
	vm1 =	vgt.s32 v17, $0xFFFFFE01  }
0xbf: {  	s21 =	sand.u32 $0x60, s30;
	s31 =	sand.u32 $0xFC00, s18;
	p6 =	slt.u32 s11, $0x4C;
	v19 =	vnsel vm0, $0xFFFFFE01, v16;
	vm13 =	vgt.s32 v18, $0xFFFFFE01;
	vm14 =	vgt.s32 v15, $0xFFFFFE01  }
.Ltmp9:
0xc0: {  	p5 =	por !p2, !p2;
	p4 =	por $0x1, $0x1;
	v16 =	vld.idx.msk [tilespmem:v14+s12+$0x0], $0xffff;
	v17 =	vnsel vm1, $0xFFFFFE01, v17;
	v21 =	vnsel vm13, $0xFFFFFE01, v18;
	v14 =	vnsel vm14, $0xFFFFFE01, v15;
	(pc) =	sbr.rel @!p6 .LBB2_20-.Ltmp9, $4  }
0xc1: {  	s17 =	sand.u32 $0x50, s17;
	s20 =	sand.u32 $0xFC00, s20;
	s19 =	sand.u32 $0xFC00, s19;
	vm15 =	vlt.s32 v19, $0x1FF;
	vm1 =	vlt.s32 v17, $0x1FF;
	vm2 =	vlt.s32 v21, $0x1FF  }
0xc2: {  	s10 =	sand.u32 $0x70, s14;
	s2 =	sadd.s32 s18, s29;
	s20 =	sor.u32 s21, s20;
	v18 =	vld.idx.msk [tilespmem:v12+s12+$0x0], $0xffff;
	vm0 =	vlt.s32 v14, $0x1FF;
	v19 =	vnsel vm15, $0x1FF, v19;
	v15 =	vnsel vm1, $0x1FF, v17  }
0xc3: {  	s23 =	sor.u32 s13, s19;
	s21 =	sor.u32 s16, s31;
	s2 =	sadd.s32 $0xFFFFFE80, s2;
	v17 =	vld.idx.msk [tilespmem:v13+s12+$0x0], $0xffff;
	v12 =	vnsel vm2, $0x1FF, v21;
	v13 =	vnsel vm0, $0x1FF, v14;
	v15 =	vadd.s32 $0x207, v15  }
0xc4: {  	s26 =	sor.u32 $0x200, s2;
	s2 =	sadd.s32 $0x40, s14;
	[tilespmem:s20+$0x680] =	vst v20;
	s20 =	smov.u32 s18;
	v14 =	vadd.s32 $0x207, v12;
	v13 =	vadd.s32 $0x207, v13;
	v12 =	vadd.s32 $0x207, v19  }
.LBB2_21:
0xc5: {  	s19 =	ssub.s32 s4, s2  }
0xc6: {  	s13 =	sadd.s32 $0xFFFFFFF0, s2;
	s11 =	sadd.s32 $0x4, s11;
	s28 =	smov.u32 s10  }
0xc7: {  	[tilespmem:s26+$0x480] =	vst v16;
	s29 =	smov.u32 s17;
	s10 =	ssub.s32 s4, s13;
	p6 =	slt.u32 s11, $0x4C  }
0xc8: {  	v16 =	vadd.s32 s19, v7;
	[tilespmem:s23+$0x680] =	vst v17;
	s17 =	sadd.s32 $0x30, s19;
	s19 =	sadd.s32 $0xFFFFFFE0, s2;
	v17 =	vadd.s32 s10, v7;
	s10 =	sand.u32 $0x70, s2  }
0xc9: {  	vm0 =	vgt.s32 v16, $0xFFFFFE01;
	v19 =	vld.idx.msk [tilespmem:v15+s12+$0x0], $0xffff;
	[tilespmem:s21+$0x680] =	vst v18;
	v15 =	vadd.s32 s17, v7;
	s21 =	ssub.s32 s4, s19;
	s17 =	sand.u32 $0x50, s19;
	s19 =	simm.s32 $0x1  }
0xca: {  	s20 =	sadd.s32 $0x200, s20;
	vm1 =	vgt.s32 v17, $0xFFFFFE01;
	v20 =	vnsel vm0, $0xFFFFFE01, v16;
	s19 =	simm.s32 @!p5 $0x0  }
0xcb: {  	s23 =	sadd.s32 $0xFFFFFF80, s20;
	vm0 =	vgt.s32 v15, $0xFFFFFE01;
	v18 =	vadd.s32 s21, v7;
	v21 =	vnsel vm1, $0xFFFFFE01, v17;
	s19 =	sshll.u32 s19, $0x6;
	v16 =	vld.idx.msk [tilespmem:v14+s12+$0x0], $0xffff  }
.Ltmp10:
0xcc: {  	s21 =	sadd.s32 $0xFFFFFF00, s20;
	v14 =	vnsel vm0, $0xFFFFFE01, v15;
	vm0 =	vgt.s32 v18, $0xFFFFFE01;
	vm1 =	vlt.s32 v21, $0x1FF;
	s19 =	sadd.s32 s20, s19;
	v17 =	vld.idx.msk [tilespmem:v13+s12+$0x0], $0xffff;
	(pc) =	sbr.rel @p6 .LBB2_21-.Ltmp10, $4  }
0xcd: {  	s0 =	sand.u32 $0x60, s0;
	s23 =	sand.u32 $0xFC00, s23;
	vm2 =	vlt.s32 v14, $0x1FF;
	v13 =	vnsel vm0, $0xFFFFFE01, v18;
	v15 =	vnsel vm1, $0x1FF, v21;
	s19 =	sadd.s32 $0xFFFFFE80, s19;
	v18 =	vld.idx.msk [tilespmem:v12+s12+$0x0], $0xffff  }
0xce: {  	s31 =	sand.u32 $0xFC00, s20;
	s0 =	sor.u32 s0, s23;
	s21 =	sand.u32 $0xFC00, s21;
	vm0 =	vlt.s32 v13, $0x1FF;
	vm1 =	vlt.s32 v20, $0x1FF;
	v15 =	vadd.s32 $0x207, v15  }
0xcf: {  	s23 =	sor.u32 s29, s21;
	s21 =	sor.u32 s28, s31;
	v12 =	vnsel vm2, $0x1FF, v14;
	v13 =	vnsel vm0, $0x1FF, v13;
	v20 =	vnsel vm1, $0x1FF, v20;
	s26 =	sor.u32 $0x200, s19;
	[tilespmem:s0+$0x680] =	vst v19  }
0xd0: {  	s2 =	sadd.s32 $0x40, s2;
	p5 =	por !p5, !p5;
	v14 =	vadd.s32 $0x207, v12;
	v13 =	vadd.s32 $0x207, v13;
	v12 =	vadd.s32 $0x207, v20;
	s0 =	smov.u32 s13  }
0xd1: {  	s13 =	smov.u32 s17  }
.LBB2_23:
0xd2: {  	_ =	sdelay $0x2  }
0xd3: {  	s19 =	simm.s32 $0x0  }
0xd4: {  	v19 =	vadd.s32 s25, v8;
	s2 =	simm.s32 $0x1;
	s11 =	sadd.s32 @p4 $0x200, s20;
	v15 =	vld.idx.msk [tilespmem:v15+s19+$0x0], $0xffff  }
0xd5: {  	v20 =	vadd.s32 s9, v8;
	s20 =	sadd.s32 $0x20, s24;
	[tilespmem:s23+$0x680] =	vst @p4 v17;
	v17 =	vadd.s32 s24, v8;
	s18 =	smov.u32 @p4 s11;
	s2 =	simm.s32 @!p5 $0x0;
	v14 =	vld.idx.msk [tilespmem:v14+s19+$0x0], $0xffff  }
0xd6: {  	[tilespmem:s26+$0x480] =	vst @p4 v16;
	s0 =	sand.u32 $0x60, s0;
	vm0 =	vgt.s32 v19, $0xFFFFFE01;
	v13 =	vld.idx.msk [tilespmem:v13+s19+$0x0], $0xffff;
	v16 =	vadd.s32 s20, v8;
	vm10 =	vgt.s32 v20, $0xFFFFFE01;
	s2 =	sshll.u32 s2, $0x6;
	s11 =	sadd.s32 $0xFFFFFF80, s18  }
0xd7: {  	v12 =	vld.idx.msk [tilespmem:v12+s19+$0x0], $0xffff;
	vm1 =	vgt.s32 v17, $0xFFFFFE01;
	v19 =	vnsel vm0, $0xFFFFFE01, v19;
	vm11 =	vgt.s32 v16, $0xFFFFFE01;
	s26 =	sadd.s32 $0xFFFFFF00, s18;
	s2 =	sadd.s32 s18, s2;
	s25 =	sand.u32 $0xFC00, s11  }
.Ltmp11:
0xd8: {  	[tilespmem:s21+$0x680] =	vst @p4 v18;
	v20 =	vnsel vm10, $0xFFFFFE01, v20;
	v17 =	vnsel vm1, $0xFFFFFE01, v17;
	v16 =	vnsel vm11, $0xFFFFFE01, v16;
	s2 =	sadd.s32 $0xFFFFFE80, s2;
	s0 =	sor.u32 s0, s25;
	(pc) =	sbr.rel @!p3 .LBB2_24-.Ltmp11, $4  }
0xd9: {  	vm12 =	vlt.s32 v20, $0x1FF;
	s28 =	sand.u32 $0xFC00, s26;
	vm13 =	vlt.s32 v19, $0x1FF;
	vm15 =	vlt.s32 v17, $0x1FF;
	s2 =	sor.u32 $0x200, s2;
	[tilespmem:s0+$0x680] =	vst v15  }
0xda: {  	s29 =	sand.u32 $0xFC00, s18;
	vm14 =	vlt.s32 v16, $0x1FF;
	v15 =	vnsel vm12, $0x1FF, v20;
	s0 =	sor.u32 s13, s28;
	[tilespmem:s2+$0x480] =	vst v14;
	v14 =	vnsel vm13, $0x1FF, v19  }
0xdb: {  	s31 =	sor.u32 s10, s29;
	[tilespmem:s0+$0x680] =	vst v13;
	v15 =	vadd.s32 $0x207, v15;
	v13 =	vnsel vm14, $0x1FF, v16;
	v16 =	vnsel vm15, $0x1FF, v17  }
0xdc: {  	s24 =	simm.s32 $0xDB0;
	s12 =	sand.u32 $0x7, s19;
	s18 =	simm.s32 $0xFFFFFFFC;
	[tilespmem:s31+$0x680] =	vst v12;
	v14 =	vadd.s32 $0x207, v14;
	v13 =	vadd.s32 $0x207, v13;
	v12 =	vadd.s32 $0x207, v16  }
0xdd: {  	_ =	sdelay $0x2  }
0xde: {  	s2 =	ssub.s32 s4, s14;
	s9 =	sadd.s32 $0xFFFFFFF0, s14;
	s0 =	sadd.s32 $0x4, s1  }
0xdf: {  	v15 =	vld.idx.msk [tilespmem:v15+s19+$0x0], $0xffff;
	s1 =	sand.u32 $0x70, s14;
	s25 =	sadd.s32 $0x30, s2;
	s10 =	ssub.s32 s4, s9;
	v16 =	vadd.s32 s2, v8  }
0xe0: {  	v14 =	vld.idx.msk [tilespmem:v14+s19+$0x0], $0xffff;
	s26 =	sshll.u32 s12, $0x4;
	s28 =	sshll.u32 s22, $0x6;
	s2 =	sadd.s32 $0x20, s2;
	v17 =	vadd.s32 s25, v8;
	v18 =	vadd.s32 s10, v8;
	vm0 =	vgt.s32 v16, $0xFFFFFE01  }
0xe1: {  	v13 =	vld.idx.msk [tilespmem:v13+s19+$0x0], $0xffff;
	s11 =	simm.s32 $0x6D00;
	s29 =	sand.u32 $0x60, s30;
	p4 =	slt.u32 s0, $0x4C;
	v19 =	vadd.s32 s2, v8;
	vm1 =	vgt.s32 v18, $0xFFFFFE01;
	vm2 =	vgt.s32 v17, $0xFFFFFE01  }
0xe2: {  	v20 =	vld.idx.msk [tilespmem:v12+s19+$0x0], $0xffff;
	s11 =	sand.u32 $0xFC00, s11;
	s10 =	sadd.s32 $0x0, s28;
	s2 =	sadd.s32 $0x0, s26;
	vm11 =	vgt.s32 v19, $0xFFFFFE01;
	v16 =	vnsel vm0, $0xFFFFFE01, v16;
	v18 =	vnsel vm1, $0xFFFFFE01, v18  }
.Ltmp12:
0xe3: {  	s11 =	sor.u32 s29, s11;
	s10 =	sadd.s32 $0x6C00, s10;
	v12 =	vnsel vm2, $0xFFFFFE01, v17;
	v17 =	vnsel vm11, $0xFFFFFE01, v19;
	vm12 =	vlt.s32 v18, $0x1FF;
	(pc) =	sbr.rel @!p4 .LBB2_26-.Ltmp12, $4  }
0xe4: {  	s30 =	simm.s32 $0x6D80;
	s2 =	sadd.s32 $0x6C90, s2;
	s10 =	sor.u32 $0x280, s10;
	vm15 =	vlt.s32 v16, $0x1FF;
	vm13 =	vlt.s32 v12, $0x1FF;
	[tilespmem:s11+$0x700] =	vst v15;
	v15 =	vnsel vm12, $0x1FF, v18  }
0xe5: {  	p2 =	por !p2, !p2;
	s31 =	sand.u32 $0xFC00, s30;
	s2 =	sor.u32 $0x280, s2;
	vm14 =	vlt.s32 v17, $0x1FF;
	[tilespmem:s10+$0x480] =	vst v14;
	v12 =	vnsel vm13, $0x1FF, v12;
	v15 =	vadd.s32 $0x207, v15  }
0xe6: {  	p3 =	por $0x1, $0x1;
	s10 =	simm.s32 $0x4;
	v16 =	vnsel vm15, $0x1FF, v16;
	s11 =	sor.u32 s16, s31;
	[tilespmem:s2+$0x480] =	vst v13;
	v17 =	vnsel vm14, $0x1FF, v17;
	v14 =	vadd.s32 $0x207, v12  }
0xe7: {  	s2 =	sadd.s32 $0x40, s14;
	s12 =	sand.u32 $0x7, s10;
	[tilespmem:s11+$0x700] =	vst v20;
	s11 =	simm.s32 $0x0;
	v13 =	vadd.s32 $0x207, v17;
	v12 =	vadd.s32 $0x207, v16  }
.LBB2_27:
0xe8: {  	s13 =	ssub.s32 s4, s2;
	s14 =	sadd.s32 $0xFFFFFFF0, s2;
	s0 =	sadd.s32 $0x4, s0  }
0xe9: {  	s16 =	smov.u32 s1;
	s12 =	sshll.u32 s12, $0x4;
	s17 =	ssub.s32 s4, s14  }
0xea: {  	s1 =	sadd.s32 $0x30, s13;
	v16 =	vadd.s32 s13, v8;
	p4 =	slt.u32 s0, $0x4C;
	v17 =	vld.idx.msk [tilespmem:v15+s19+$0x0], $0xffff;
	v18 =	vadd.s32 s17, v8;
	s17 =	simm.s32 $0x1  }
0xeb: {  	s13 =	sadd.s32 $0x20, s13;
	v15 =	vadd.s32 s1, v8;
	vm0 =	vgt.s32 v16, $0xFFFFFE01;
	s1 =	sand.u32 $0x70, s2;
	v19 =	vld.idx.msk [tilespmem:v14+s19+$0x0], $0xffff;
	s17 =	simm.s32 @!p2 $0x0  }
0xec: {  	s11 =	sadd.s32 $0x200, s11;
	s9 =	sand.u32 $0x60, s9;
	v14 =	vadd.s32 s13, v8;
	vm1 =	vgt.s32 v15, $0xFFFFFE01;
	vm2 =	vgt.s32 v18, $0xFFFFFE01;
	s13 =	sshll.u32 s17, $0x6;
	v20 =	vld.idx.msk [tilespmem:v13+s19+$0x0], $0xffff  }
0xed: {  	s12 =	sadd.s32 s11, s12;
	v13 =	vnsel vm1, $0xFFFFFE01, v15;
	vm1 =	vgt.s32 v14, $0xFFFFFE01;
	v15 =	vnsel vm2, $0xFFFFFE01, v18;
	s17 =	sadd.s32 $0x6D00, s11;
	s13 =	sadd.s32 s11, s13;
	v18 =	vld.idx.msk [tilespmem:v12+s19+$0x0], $0xffff  }
0xee: {  	s20 =	sadd.s32 $0x6D80, s11;
	s12 =	sadd.s32 $0x6C90, s12;
	v16 =	vnsel vm0, $0xFFFFFE01, v16;
	v12 =	vnsel vm1, $0xFFFFFE01, v14;
	vm1 =	vlt.s32 v15, $0x1FF;
	s17 =	sand.u32 $0xFC00, s17  }
.Ltmp13:
0xef: {  	vm0 =	vlt.s32 v13, $0x1FF;
	vm2 =	vlt.s32 v12, $0x1FF;
	v14 =	vnsel vm1, $0x1FF, v15;
	s13 =	sadd.s32 $0x6C00, s13;
	s9 =	sor.u32 s9, s17;
	(pc) =	sbr.rel @p4 .LBB2_27-.Ltmp13, $4  }
0xf0: {  	s12 =	sor.u32 $0x280, s12;
	v13 =	vnsel vm0, $0x1FF, v13;
	vm0 =	vlt.s32 v16, $0x1FF;
	v15 =	vadd.s32 $0x207, v14;
	s13 =	sor.u32 $0x280, s13;
	[tilespmem:s9+$0x700] =	vst v17;
	s9 =	sand.u32 $0xFC00, s20  }
0xf1: {  	v14 =	vadd.s32 $0x207, v13;
	v12 =	vnsel vm2, $0x1FF, v12;
	v16 =	vnsel vm0, $0x1FF, v16;
	[tilespmem:s13+$0x480] =	vst v19;
	s13 =	sor.u32 s16, s9;
	s9 =	smov.u32 s14  }
0xf2: {  	s10 =	sadd.s32 $0x4, s10;
	v13 =	vadd.s32 $0x207, v12;
	v12 =	vadd.s32 $0x207, v16;
	[tilespmem:s12+$0x480] =	vst v20  }
0xf3: {  	s2 =	sadd.s32 $0x40, s2;
	p2 =	por !p2, !p2;
	s12 =	sand.u32 $0x7, s10;
	[tilespmem:s13+$0x700] =	vst v18  }
0xf4: {  	s16 =	smov.u32 s1;
	s30 =	smov.u32 s9  }
.LBB2_29:
0xf5: {  	s0 =	simm.s32 $0x1  }
0xf6: {  	s2 =	sshll.u32 s12, $0x4;
	s1 =	sadd.s32 @p3 $0x200, s11;
	s10 =	simm.s32 $0x0  }
0xf7: {  	s29 =	sadd.s32 $0xFFFFFFE0, s24;
	s14 =	sand.u32 $0x60, s30;
	s30 =	sadd.s32 $0x4, s18  }
0xf8: {  	s11 =	sand.u32 $0x70, s24;
	s10 =	smov.u32 @p3 s1;
	s1 =	ssub.s32 s4, s24  }
0xf9: {  	v15 =	vld.idx.msk [tilespmem:v15+s19+$0x0], $0xffff;
	s18 =	simm.s32 $0x6C00;
	s13 =	ssub.s32 s4, s29;
	s9 =	sadd.s32 $0x10, s1  }
0xfa: {  	v13 =	vld.idx.msk [tilespmem:v13+s19+$0x0], $0xffff;
	s22 =	sadd.s32 $0x40, s24;
	s0 =	simm.s32 @!p2 $0x0;
	v16 =	vadd.s32 s1, v9;
	v17 =	vadd.s32 s13, v9;
	s17 =	sadd.s32 $0x30, s1;
	v18 =	vadd.s32 s9, v9  }
0xfb: {  	v14 =	vld.idx.msk [tilespmem:v14+s19+$0x0], $0xffff;
	p3 =	slt.u32 s30, $0x4C;
	s0 =	sshll.u32 s0, $0x6;
	s31 =	sadd.s32 $0x6D00, s10;
	vm0 =	vgt.s32 v16, $0xFFFFFE01;
	v19 =	vadd.s32 s17, v9;
	vm12 =	vgt.s32 v17, $0xFFFFFE01  }
0xfc: {  	v12 =	vld.idx.msk [tilespmem:v12+s19+$0x0], $0xffff;
	s2 =	sadd.s32 s10, s2;
	s12 =	sand.u32 $0xFC00, s31;
	s0 =	sadd.s32 s10, s0;
	vm1 =	vgt.s32 v18, $0xFFFFFE01;
	v16 =	vnsel vm0, $0xFFFFFE01, v16;
	vm11 =	vgt.s32 v19, $0xFFFFFE01  }
.Ltmp14:
0xfd: {  	s2 =	sadd.s32 $0x6C90, s2;
	s12 =	sor.u32 s14, s12;
	v17 =	vnsel vm12, $0xFFFFFE01, v17;
	v18 =	vnsel vm1, $0xFFFFFE01, v18;
	v19 =	vnsel vm11, $0xFFFFFE01, v19;
	(pc) =	sbr.rel @!p3 .LBB2_30-.Ltmp14, $4  }
0xfe: {  	s10 =	sadd.s32 $0x6D80, s10;
	s0 =	sadd.s32 $0x6C00, s0;
	s2 =	sor.u32 $0x280, s2;
	[tilespmem:s12+$0x700] =	vst v15;
	vm14 =	vlt.s32 v17, $0x1FF;
	vm15 =	vlt.s32 v16, $0x1FF;
	vm1 =	vlt.s32 v18, $0x1FF  }
0xff: {  	s10 =	sand.u32 $0xFC00, s10;
	s14 =	simm.s32 $0x1;
	s0 =	sor.u32 $0x280, s0;
	[tilespmem:s2+$0x480] =	vst v13;
	vm13 =	vlt.s32 v19, $0x1FF;
	v13 =	vnsel vm14, $0x1FF, v17;
	v15 =	vnsel vm1, $0x1FF, v18  }
0x100: {  	p2 =	por $0x0, $0x0;
	s10 =	sor.u32 s16, s10;
	s14 =	simm.s32 @!p1 $0x0;
	[tilespmem:s0+$0x480] =	vst v14;
	v16 =	vnsel vm15, $0x1FF, v16;
	v14 =	vnsel vm13, $0x1FF, v19;
	v15 =	vadd.s32 $0x207, v15  }
0x101: {  	s12 =	sand.u32 $0x50, s29;
	s16 =	simm.s32 $0x6D20;
	s20 =	sshll.u32 s14, $0x6;
	[tilespmem:s10+$0x700] =	vst v12;
	v17 =	vadd.s32 $0x207, v14;
	v14 =	vadd.s32 $0x207, v13;
	v13 =	vadd.s32 $0x207, v16  }
0x102: {  	_ =	sdelay $0x1  }
0x103: {  	s2 =	ssub.s32 s4, s22;
	s0 =	sadd.s32 $0x4, s30;
	s10 =	simm.s32 $0x0  }
0x104: {  	s21 =	sadd.s32 $0xFFFFFFE0, s22;
	s23 =	sand.u32 $0x3, s19;
	s13 =	sadd.s32 $0x10, s2  }
0x105: {  	s20 =	sadd.s32 $0x0, s20;
	s28 =	simm.s32 $0x6C80;
	s24 =	sand.u32 $0x70, s22;
	v15 =	vld.idx.msk [tilespmem:v15+s10+$0x0], $0xffff;
	v16 =	vadd.s32 s13, v9  }
0x106: {  	p5 =	por !p1, !p1;
	v12 =	vadd.s32 s2, v9;
	s2 =	sadd.s32 $0x30, s2;
	s23 =	sshll.u32 s23, $0x5;
	vm1 =	vgt.s32 v16, $0xFFFFFE01  }
0x107: {  	p4 =	por $0x1, $0x1;
	s25 =	ssub.s32 s4, s21;
	v17 =	vld.idx.msk [tilespmem:v17+s10+$0x0], $0xffff;
	vm0 =	vgt.s32 v12, $0xFFFFFE01;
	v18 =	vadd.s32 s2, v9;
	s26 =	sadd.s32 $0x0, s23;
	v16 =	vnsel vm1, $0xFFFFFE01, v16  }
0x108: {  	p6 =	slt.u32 s0, $0x4C;
	s20 =	sadd.s32 $0x6C00, s20;
	v20 =	vld.idx.msk [tilespmem:v14+s10+$0x0], $0xffff;
	v19 =	vadd.s32 s25, v9;
	v12 =	vnsel vm0, $0xFFFFFE01, v12;
	s2 =	sadd.s32 $0x6D20, s26;
	vm1 =	vlt.s32 v16, $0x1FF  }
.Ltmp15:
0x109: {  	s29 =	sand.u32 $0xFC00, s28;
	vm13 =	vgt.s32 v18, $0xFFFFFE01;
	vm14 =	vgt.s32 v19, $0xFFFFFE01;
	s2 =	sor.u32 $0x300, s2;
	v16 =	vnsel vm1, $0x1FF, v16;
	(pc) =	sbr.rel @!p6 .LBB2_32-.Ltmp15, $4  }
0x10a: {  	s25 =	simm.s32 $0x6D80;
	s13 =	sand.u32 $0x50, s21;
	s20 =	sor.u32 $0x300, s20;
	v14 =	vnsel vm13, $0xFFFFFE01, v18;
	v18 =	vnsel vm14, $0xFFFFFE01, v19;
	[tilespmem:s2+$0x480] =	vst v15;
	v15 =	vadd.s32 $0x207, v16;
	v16 =	vld.idx.msk [tilespmem:v13+s10+$0x0], $0xffff  }
0x10b: {  	s23 =	simm.s32 $0x1;
	s12 =	sor.u32 s12, s29;
	s31 =	sand.u32 $0xFC00, s25;
	vm15 =	vlt.s32 v12, $0x1FF;
	vm2 =	vlt.s32 v14, $0x1FF;
	vm0 =	vlt.s32 v18, $0x1FF  }
0x10c: {  	s21 =	simm.s32 $0x0;
	s23 =	simm.s32 @!p5 $0x0;
	s25 =	sor.u32 s11, s31;
	v12 =	vnsel vm15, $0x1FF, v12;
	[tilespmem:s20+$0x480] =	vst v17;
	v13 =	vnsel vm2, $0x1FF, v14;
	v14 =	vnsel vm0, $0x1FF, v18  }
0x10d: {  	s20 =	sshll.u32 s23, $0x6;
	s2 =	sadd.s32 $0x40, s22;
	[tilespmem:s12+$0x780] =	vst v20;
	s23 =	simm.s32 $0x0;
	v17 =	vadd.s32 $0x207, v13;
	v14 =	vadd.s32 $0x207, v14;
	v13 =	vadd.s32 $0x207, v12  }
.LBB2_33:
0x10e: {  	s11 =	ssub.s32 s4, s2;
	s0 =	sadd.s32 $0x4, s0  }
0x10f: {  	[tilespmem:s25+$0x780] =	vst v16;
	s12 =	smov.u32 s24;
	s23 =	sadd.s32 $0x2, s23;
	s25 =	sadd.s32 $0xFFFFFFE0, s2  }
0x110: {  	s21 =	sadd.s32 $0x200, s21;
	s24 =	sadd.s32 $0x10, s11;
	v12 =	vadd.s32 s11, v9;
	p6 =	slt.u32 s0, $0x4C;
	v18 =	vld.idx.msk [tilespmem:v15+s10+$0x0], $0xffff  }
0x111: {  	p5 =	por !p5, !p5;
	s11 =	sadd.s32 $0x30, s11;
	v15 =	vadd.s32 s24, v9;
	vm0 =	vgt.s32 v12, $0xFFFFFE01;
	s24 =	sand.u32 $0x3, s23  }
0x112: {  	s20 =	sadd.s32 s21, s20;
	v16 =	vadd.s32 s11, v9;
	s11 =	ssub.s32 s4, s25;
	vm1 =	vgt.s32 v15, $0xFFFFFE01;
	v12 =	vnsel vm0, $0xFFFFFE01, v12;
	s24 =	sshll.u32 s24, $0x5;
	v19 =	vld.idx.msk [tilespmem:v17+s10+$0x0], $0xffff  }
0x113: {  	s26 =	sadd.s32 $0x6D80, s21;
	vm0 =	vgt.s32 v16, $0xFFFFFE01;
	v17 =	vadd.s32 s11, v9;
	v15 =	vnsel vm1, $0xFFFFFE01, v15;
	s11 =	sadd.s32 s21, s24;
	v20 =	vld.idx.msk [tilespmem:v14+s10+$0x0], $0xffff;
	s24 =	sadd.s32 $0x6C80, s21  }
0x114: {  	s28 =	sand.u32 $0x50, s25;
	s20 =	sadd.s32 $0x6C00, s20;
	v14 =	vnsel vm0, $0xFFFFFE01, v16;
	vm0 =	vgt.s32 v17, $0xFFFFFE01;
	vm1 =	vlt.s32 v15, $0x1FF;
	s11 =	sadd.s32 $0x6D20, s11;
	v16 =	vld.idx.msk [tilespmem:v13+s10+$0x0], $0xffff  }
.Ltmp16:
0x115: {  	vm2 =	vlt.s32 v14, $0x1FF;
	v13 =	vnsel vm0, $0xFFFFFE01, v17;
	s25 =	sand.u32 $0xFC00, s24;
	v15 =	vnsel vm1, $0x1FF, v15;
	s11 =	sor.u32 $0x300, s11;
	(pc) =	sbr.rel @p6 .LBB2_33-.Ltmp16, $4  }
0x116: {  	s20 =	sor.u32 $0x300, s20;
	s24 =	sand.u32 $0x70, s2;
	vm0 =	vlt.s32 v13, $0x1FF;
	vm1 =	vlt.s32 v12, $0x1FF;
	v15 =	vadd.s32 $0x207, v15;
	[tilespmem:s11+$0x480] =	vst v18;
	s11 =	sand.u32 $0xFC00, s26  }
0x117: {  	v14 =	vnsel vm2, $0x1FF, v14;
	v13 =	vnsel vm0, $0x1FF, v13;
	v12 =	vnsel vm1, $0x1FF, v12;
	s26 =	sor.u32 s13, s25;
	s25 =	sor.u32 s12, s11;
	s11 =	simm.s32 $0x1  }
0x118: {  	v17 =	vadd.s32 $0x207, v14;
	s13 =	smov.u32 s28;
	v14 =	vadd.s32 $0x207, v13;
	v13 =	vadd.s32 $0x207, v12;
	s11 =	simm.s32 @!p5 $0x0;
	[tilespmem:s20+$0x480] =	vst v19  }
0x119: {  	s2 =	sadd.s32 $0x40, s2;
	s20 =	sshll.u32 s11, $0x6;
	[tilespmem:s26+$0x780] =	vst v20  }
0x11a: {  	s11 =	smov.u32 s24;
	s12 =	smov.u32 s13  }
.LBB2_35:
0x11b: {  	_ =	sdelay $0x1  }
0x11c: {  	s0 =	sadd.s32 @p4 $0x2, s23;
	s2 =	simm.s32 $0x0  }
0x11d: {  	s24 =	simm.s32 $0x0;
	s2 =	smov.u32 @p4 s0  }
0x11e: {  	v12 =	vadd.s32 $0x1006, v0;
	s26 =	sadd.s32 $0x20, s1;
	v15 =	vld.idx.msk [tilespmem:v15+s24+$0x0], $0xffff;
	s0 =	sand.u32 $0x3, s2;
	s2 =	sadd.s32 @p4 $0x200, s21  }
0x11f: {  	v18 =	vadd.s32 s9, v12;
	v17 =	vld.idx.msk [tilespmem:v17+s24+$0x0], $0xffff;
	v19 =	vadd.s32 s17, v12;
	v20 =	vadd.s32 s26, v12;
	s0 =	sshll.u32 s0, $0x5;
	s19 =	smov.u32 @p4 s2  }
0x120: {  	v14 =	vld.idx.msk [tilespmem:v14+s24+$0x0], $0xffff;
	v21 =	vadd.s32 s1, v12;
	vm0 =	vgt.s32 v18, $0xFFFFFE01;
	vm1 =	vgt.s32 v19, $0xFFFFFE01;
	s0 =	sadd.s32 s19, s0  }
0x121: {  	v13 =	vld.idx.msk [tilespmem:v13+s24+$0x0], $0xffff;
	vm10 =	vgt.s32 v20, $0xFFFFFE01;
	vm11 =	vgt.s32 v21, $0xFFFFFE01;
	v18 =	vnsel vm0, $0xFFFFFE01, v18;
	s28 =	sadd.s32 s19, s20;
	s29 =	sadd.s32 $0x6C80, s19;
	s0 =	sadd.s32 $0x6D20, s0  }
.Ltmp17:
0x122: {  	[tilespmem:s25+$0x780] =	vst @p4 v16;
	v19 =	vnsel vm1, $0xFFFFFE01, v19;
	v20 =	vnsel vm10, $0xFFFFFE01, v20;
	vm12 =	vlt.s32 v18, $0x1FF;
	s2 =	sadd.s32 $0x6C00, s28;
	s0 =	sor.u32 $0x300, s0;
	(pc) =	sbr.rel @!p3 .LBB2_36-.Ltmp17, $4  }
0x123: {  	s31 =	sadd.s32 $0x6D80, s19;
	vm13 =	vlt.s32 v19, $0x1FF;
	s1 =	sand.u32 $0xFC00, s29;
	s2 =	sor.u32 $0x300, s2;
	[tilespmem:s0+$0x480] =	vst v15;
	v15 =	vnsel vm12, $0x1FF, v18;
	v18 =	vnsel vm11, $0xFFFFFE01, v21  }
0x124: {  	vm14 =	vlt.s32 v20, $0x1FF;
	s1 =	sor.u32 s12, s1;
	[tilespmem:s2+$0x480] =	vst v17;
	s0 =	sand.u32 $0xFC00, s31;
	v17 =	vnsel vm13, $0x1FF, v19;
	vm15 =	vlt.s32 v18, $0x1FF  }
0x125: {  	[tilespmem:s1+$0x780] =	vst v14;
	v14 =	vnsel vm14, $0x1FF, v20;
	s0 =	sor.u32 s11, s0;
	v16 =	vadd.s32 $0x207, v15;
	v15 =	vnsel vm15, $0x1FF, v18  }
0x126: {  	v17 =	vadd.s32 $0x207, v17;
	v14 =	vadd.s32 $0x207, v14;
	[tilespmem:s0+$0x780] =	vst v13;
	v13 =	vadd.s32 $0x207, v15  }
0x127: {  	_ =	sdelay $0x1  }
0x128: {  	s0 =	ssub.s32 s4, s22;
	s31 =	sand.u32 $0x7, s24  }
0x129: {  	s9 =	sshll.u32 s14, $0x6;
	s1 =	sadd.s32 $0x30, s0;
	s2 =	sadd.s32 $0x10, s0  }
0x12a: {  	v21 =	vld.idx.msk [tilespmem:v16+s3+$0x0], $0xffff;
	s11 =	sadd.s32 $0x40, s22;
	p2 =	por $0x1, $0x1;
	s29 =	sadd.s32 $0x20, s0;
	v19 =	vadd.s32 s0, v12;
	v15 =	vadd.s32 s1, v12;
	v18 =	vadd.s32 s2, v12  }
0x12b: {  	s13 =	simm.s32 $0x0;
	s0 =	sadd.s32 $0x4, s30;
	s30 =	sand.u32 $0x3, s24;
	v20 =	vadd.s32 s29, v12;
	vm12 =	vgt.s32 v19, $0xFFFFFE01;
	vm1 =	vgt.s32 v18, $0xFFFFFE01  }
0x12c: {  	p3 =	por p1, p1;
	p4 =	slt.u32 s0, $0x4C;
	s1 =	sshll.u32 s30, $0x5;
	vm0 =	vgt.s32 v15, $0xFFFFFE01;
	vm2 =	vgt.s32 v20, $0xFFFFFE01;
	v16 =	vnsel vm1, $0xFFFFFE01, v18  }
.Ltmp18:
0x12d: {  	s12 =	smov.u32 s16;
	s1 =	sadd.s32 s1, s16;
	v22 =	vnsel vm0, $0xFFFFFE01, v15;
	v20 =	vnsel vm2, $0xFFFFFE01, v20;
	v15 =	vld.idx.msk [tilespmem:v17+s3+$0x0], $0xffff;
	v17 =	vnsel vm12, $0xFFFFFE01, v19;
	(pc) =	sbr.rel @!p4 .LBB2_38-.Ltmp18, $4  }
0x12e: {  	s9 =	sadd.s32 s9, s18;
	s2 =	sshll.u32 s31, $0x4;
	s1 =	sor.u32 $0x380, s1;
	v18 =	vld.idx.msk [tilespmem:v14+s3+$0x0], $0xffff;
	vm13 =	vlt.s32 v16, $0x1FF;
	vm14 =	vlt.s32 v22, $0x1FF;
	vm15 =	vlt.s32 v20, $0x1FF  }
0x12f: {  	s10 =	sadd.s32 $0x0, s2;
	s2 =	sor.u32 $0x380, s9;
	s9 =	smov.u32 s18;
	v19 =	vld.idx.msk [tilespmem:v13+s3+$0x0], $0xffff;
	vm1 =	vlt.s32 v17, $0x1FF;
	[tilespmem:s1+$0x480] =	vst v21;
	v16 =	vnsel vm13, $0x1FF, v16;
	v13 =	vnsel vm14, $0x1FF, v22  }
0x130: {  	s17 =	sadd.s32 $0x6C90, s10;
	s14 =	sadd.s32 $0x6DB0, s10;
	v14 =	vnsel vm15, $0x1FF, v20;
	v20 =	vnsel vm1, $0x1FF, v17;
	s21 =	rddreg [dreg:$0xf];
	v16 =	vadd.s32 $0x207, v16  }
0x131: {  	s10 =	simm.s32 $0x0;
	s1 =	simm.s32 $0x0;
	s23 =	sld [smem:$0x7F4];
	v17 =	vadd.s32 $0x207, v13;
	v14 =	vadd.s32 $0x207, v14;
	v13 =	vadd.s32 $0x207, v20  }
.LBB2_39:
0x132: {  	s19 =	ssub.s32 s4, s11  }
0x133: {  	s0 =	sadd.s32 $0x4, s0;
	[tilespmem:s2+$0x480] =	vst v15;
	s2 =	sor.u32 $0x380, s17;
	s14 =	sor.u32 $0x380, s14  }
0x134: {  	s17 =	sadd.s32 $0x30, s19;
	s20 =	sadd.s32 $0x10, s19;
	p4 =	slt.u32 s0, $0x4C;
	[tilespmem:s2+$0x480] =	vst v18  }
0x135: {  	s1 =	sadd.s32 $0x200, s1;
	s10 =	sadd.s32 $0x4, s10;
	s2 =	sadd.s32 $0x20, s19;
	v20 =	vadd.s32 s19, v12;
	v18 =	vadd.s32 s17, v12;
	v15 =	vadd.s32 s20, v12;
	v21 =	vld.idx.msk [tilespmem:v16+s3+$0x0], $0xffff  }
0x136: {  	s13 =	sadd.s32 $0x2, s13;
	s9 =	sadd.s32 $0x200, s9;
	p3 =	por !p3, !p3;
	v16 =	vadd.s32 s2, v12;
	vm0 =	vgt.s32 v18, $0xFFFFFE01;
	vm1 =	vgt.s32 v15, $0xFFFFFE01;
	[tilespmem:s14+$0x480] =	vst v19  }
0x137: {  	s12 =	sadd.s32 $0x200, s12;
	s2 =	sand.u32 $0x3, s13;
	vm2 =	vgt.s32 v16, $0xFFFFFE01;
	s14 =	simm.s32 $0x1;
	v19 =	vnsel vm1, $0xFFFFFE01, v15;
	vm1 =	vgt.s32 v20, $0xFFFFFE01;
	v15 =	vld.idx.msk [tilespmem:v17+s3+$0x0], $0xffff  }
.Ltmp19:
0x138: {  	s2 =	sshll.u32 s2, $0x5;
	v17 =	vnsel vm0, $0xFFFFFE01, v18;
	v22 =	vnsel vm2, $0xFFFFFE01, v16;
	s14 =	simm.s32 @!p3 $0x0;
	vm0 =	vlt.s32 v19, $0x1FF;
	v18 =	vld.idx.msk [tilespmem:v14+s3+$0x0], $0xffff;
	(pc) =	sbr.rel @p4 .LBB2_39-.Ltmp19, $4  }
0x139: {  	s17 =	sand.u32 $0x7, s10;
	s2 =	sadd.s32 s2, s12;
	vm2 =	vlt.s32 v17, $0x1FF;
	v20 =	vnsel vm1, $0xFFFFFE01, v20;
	s14 =	sshll.u32 s14, $0x6;
	v14 =	vnsel vm0, $0x1FF, v19;
	v19 =	vld.idx.msk [tilespmem:v13+s3+$0x0], $0xffff  }
0x13a: {  	s17 =	sshll.u32 s17, $0x4;
	s19 =	sor.u32 $0x380, s2;
	vm0 =	vlt.s32 v22, $0x1FF;
	vm1 =	vlt.s32 v20, $0x1FF;
	s14 =	sadd.s32 s14, s9;
	v16 =	vadd.s32 $0x207, v14  }
0x13b: {  	s20 =	sadd.s32 s17, s1;
	v13 =	vnsel vm2, $0x1FF, v17;
	v14 =	vnsel vm0, $0x1FF, v22;
	v20 =	vnsel vm1, $0x1FF, v20;
	s2 =	sor.u32 $0x380, s14;
	[tilespmem:s19+$0x480] =	vst v21  }
0x13c: {  	s11 =	sadd.s32 $0x40, s11;
	s17 =	sadd.s32 $0x6C90, s20;
	v17 =	vadd.s32 $0x207, v13;
	s14 =	sadd.s32 $0x6DB0, s20;
	v14 =	vadd.s32 $0x207, v14;
	v13 =	vadd.s32 $0x207, v20  }
0x13d: {  	s19 =	rddreg [dreg:$0x11]  }
0x13e: {  	s20 =	rddreg [dreg:$0x19]  }
0x13f: {  	s22 =	rddreg [dreg:$0x1b]  }
.LBB2_41:
0x140: {  	s0 =	sadd.s32 @p2 $0x4, s10;
	s10 =	sadd.s32 @p2 $0x2, s13;
	s11 =	simm.s32 $0x0  }
0x141: {  	s13 =	simm.s32 $0x0;
	s1 =	sadd.s32 @p2 $0x200, s1;
	p3 =	por @p2 !p3, !p3  }
0x142: {  	s12 =	sadd.s32 @p2 $0x200, s12;
	s9 =	sadd.s32 @p2 $0x200, s9;
	s11 =	smov.u32 @p2 s10  }
0x143: {  	s13 =	smov.u32 @p2 s0;
	s0 =	sor.u32 @p2 $0x380, s17;
	s10 =	sor.u32 @p2 $0x380, s14  }
0x144: {  	v12 =	vld.idx.msk [tilespmem:v16+s3+$0x0], $0xffff;
	p3 =	por @!p2 p1, p1;
	s16 =	smov.u32 @p2 s12;
	s12 =	simm.s32 $0x1  }
0x145: {  	v63 =	vld.idx.msk [tilespmem:v17+s3+$0x0], $0xffff;
	s18 =	smov.u32 @p2 s9;
	s24 =	smov.u32 @p2 s1;
	s11 =	sand.u32 $0x3, s11  }
0x146: {  	[tilespmem:s2+$0x480] =	vst @p2 v15;
	v14 =	vld.idx.msk [tilespmem:v14+s3+$0x0], $0xffff;
	s12 =	simm.s32 @!p3 $0x0;
	s25 =	sand.u32 $0x7, s13;
	s11 =	sshll.u32 s11, $0x5  }
0x147: {  	v13 =	vld.idx.msk [tilespmem:v13+s3+$0x0], $0xffff;
	[tilespmem:s0+$0x480] =	vst @p2 v18;
	s12 =	sshll.u32 s12, $0x6;
	s26 =	sshll.u32 s25, $0x4;
	s11 =	sadd.s32 s11, s16  }
0x148: {  	[tilespmem:s10+$0x480] =	vst @p2 v19;
	s28 =	sadd.s32 s12, s18;
	s0 =	sadd.s32 s26, s24;
	s29 =	sor.u32 $0x380, s11  }
0x149: {  	s1 =	sor.u32 $0x380, s28;
	s30 =	sadd.s32 $0x6C90, s0;
	[tilespmem:s29+$0x480] =	vst v12  }
0x14a: {  	s0 =	sadd.s32 $0x6DB0, s0;
	[tilespmem:s1+$0x480] =	vst v63;
	s31 =	sor.u32 $0x380, s30  }
0x14b: {  	s0 =	sor.u32 $0x380, s0;
	[tilespmem:s31+$0x480] =	vst v14  }
0x14c: {  	[tilespmem:s0+$0x480] =	vst v13  }
0x14d: {  	v12 =	vpsel p0, v11, v10;
	s1 =	rddreg [dreg:$0xe]  }
0x14e: {  	[tilespmem:s1+$0xFFFFFFC0] =	vst v12  }
0x14f: {  	p1 =	sgt.u32 s5, $0x8;
	[tilespmem:s1+$0x30] =	vst v12  }
.Ltmp20:
0x150: {  	[tilespmem:s1+$0x20] =	vst v12;
	(pc) =	sbr.rel @!p1 .LBB2_43-.Ltmp20, $4  }
0x151: {  	[tilespmem:s1+$0x10] =	vst v12  }
0x152: {  	[tilespmem:s1+$0x0] =	vst v12  }
0x153: {  	[tilespmem:s1+$0xFFFFFFF0] =	vst v12  }
0x154: {  	s0 =	simm.s32 $0x8;
	[tilespmem:s1+$0xFFFFFFE0] =	vst v12  }
.LBB2_42:
0x155: {  	s0 =	sadd.s32 $0x8, s0;
	[tilespmem:s1+$0xFFFFFFD0] =	vst v12;
	s1 =	sadd.s32 $0x400, s1  }
0x156: {  	[tilespmem:s1+$0xFFFFFFC0] =	vst v12;
	p1 =	slt.u32 s0, s5  }
0x157: {  	[tilespmem:s1+$0x30] =	vst v12  }
.Ltmp21:
0x158: {  	[tilespmem:s1+$0x20] =	vst v12;
	(pc) =	sbr.rel @p1 .LBB2_42-.Ltmp21, $4  }
0x159: {  	[tilespmem:s1+$0x10] =	vst v12  }
0x15a: {  	[tilespmem:s1+$0x0] =	vst v12  }
0x15b: {  	[tilespmem:s1+$0xFFFFFFF0] =	vst v12  }
0x15c: {  	[tilespmem:s1+$0xFFFFFFE0] =	vst v12  }
.LBB2_43:
0x15d: {  	[tilespmem:s1+$0xFFFFFFD0] =	vst v12;
	s9 =	sand.u32 $0xFFFFFC80, s21  }
0x15e: {  	s2 =	rddreg [dreg:$0x10];
	[tilespmem:s9+$0x4F0] =	vst v12  }
0x15f: {  	[tilespmem:s2+$0x10] =	vst v12  }
0x160: {  	p1 =	sgt.u32 s5, $0x8;
	[tilespmem:s2+$0x20] =	vst v12  }
.Ltmp22:
0x161: {  	[tilespmem:s2+$0x40] =	vst v12;
	(pc) =	sbr.rel @!p1 .LBB2_45-.Ltmp22, $4  }
0x162: {  	s0 =	sadd.s32 $0xFFFFFF00, s21;
	[tilespmem:s2+$0x60] =	vst v12  }
0x163: {  	s31 =	sadd.s32 $0xFFFFFE00, s21;
	s0 =	sand.u32 $0xFFFFFC80, s0;
	[tilespmem:s2+$0x0] =	vst v12  }
0x164: {  	s1 =	sand.u32 $0xFFFFFC80, s31;
	s9 =	smov.u32 s21;
	[tilespmem:s0+$0x4D0] =	vst v12  }
0x165: {  	[tilespmem:s1+$0x4B0] =	vst v12;
	s1 =	simm.s32 $0x8;
	s2 =	sadd.s32 $0x400, s2;
	s0 =	simm.s32 $0x0  }
.LBB2_44:
0x166: {  	[tilespmem:s2+$0x10] =	vst v12  }
0x167: {  	s1 =	sadd.s32 $0x8, s1;
	[tilespmem:s2+$0x20] =	vst v12  }
0x168: {  	s9 =	sadd.s32 $0x400, s9;
	p1 =	slt.u32 s1, s5;
	[tilespmem:s2+$0x40] =	vst v12  }
.Ltmp23:
0x169: {  	s10 =	sadd.s32 $0xFFFFFE00, s9;
	s11 =	sadd.s32 $0xFFFFFF00, s9;
	[tilespmem:s2+$0x60] =	vst v12;
	(pc) =	sbr.rel @p1 .LBB2_44-.Ltmp23, $4  }
0x16a: {  	s10 =	sand.u32 $0xFFFFFC80, s10;
	s11 =	sand.u32 $0xFFFFFC80, s11;
	[tilespmem:s2+$0x0] =	vst v12  }
0x16b: {  	s2 =	sadd.s32 $0x400, s2;
	[tilespmem:s11+$0x4D0] =	vst v12;
	s11 =	sand.u32 $0xFFFFFC80, s9  }
0x16c: {  	[tilespmem:s10+$0x4B0] =	vst v12  }
0x16d: {  	[tilespmem:s11+$0x4F0] =	vst v12  }
.LBB2_45:
0x16e: {  	s2 =	rddreg [dreg:$0x12]  }
0x16f: {  	[tilespmem:s2+$0xFFFFFFC0] =	vst v12  }
0x170: {  	s1 =	sadd.s32 $0x8, s0;
	[tilespmem:s2+$0xFFFFFFD0] =	vst v12  }
0x171: {  	[tilespmem:s2+$0xFFFFFFE0] =	vst v12;
	p1 =	slt.u32 s1, s5  }
.Ltmp24:
0x172: {  	[tilespmem:s2+$0xFFFFFFF0] =	vst v12;
	(pc) =	sbr.rel @!p1 .LBB2_47-.Ltmp24, $4  }
0x173: {  	[tilespmem:s2+$0x0] =	vst v12  }
0x174: {  	s9 =	sand.u32 $0xFFFFFD00, s19;
	[tilespmem:s2+$0xFFFFFFB0] =	vst v12  }
0x175: {  	[tilespmem:s9+$0x4F0] =	vst v12  }
0x176: {  	s2 =	sadd.s32 $0x400, s2;
	[tilespmem:s9+$0x4E0] =	vst v12;
	s9 =	smov.u32 s19  }
.LBB2_46:
0x177: {  	[tilespmem:s2+$0xFFFFFFC0] =	vst v12  }
0x178: {  	s1 =	sadd.s32 $0x8, s1;
	[tilespmem:s2+$0xFFFFFFD0] =	vst v12  }
0x179: {  	p1 =	slt.u32 s1, s5;
	[tilespmem:s2+$0xFFFFFFE0] =	vst v12  }
.Ltmp25:
0x17a: {  	[tilespmem:s2+$0xFFFFFFF0] =	vst v12;
	(pc) =	sbr.rel @p1 .LBB2_46-.Ltmp25, $4  }
0x17b: {  	s9 =	sadd.s32 $0x400, s9;
	[tilespmem:s2+$0x0] =	vst v12  }
0x17c: {  	s10 =	sand.u32 $0xFFFFFD00, s9;
	[tilespmem:s2+$0xFFFFFFB0] =	vst v12  }
0x17d: {  	s2 =	sadd.s32 $0x400, s2;
	[tilespmem:s10+$0x4F0] =	vst v12  }
0x17e: {  	[tilespmem:s10+$0x4E0] =	vst v12  }
.LBB2_47:
0x17f: {  	s2 =	rddreg [dreg:$0x13]  }
0x180: {  	[tilespmem:s2+$0xFFFFFFB0] =	vst v12  }
0x181: {  	s1 =	sadd.s32 $0x8, s0;
	[tilespmem:s2+$0xFFFFFFC0] =	vst v12  }
0x182: {  	[tilespmem:s2+$0xFFFFFFD0] =	vst v12;
	p1 =	slt.u32 s1, s5  }
.Ltmp26:
0x183: {  	[tilespmem:s2+$0xFFFFFFE0] =	vst v12;
	(pc) =	sbr.rel @!p1 .LBB2_49-.Ltmp26, $4  }
0x184: {  	[tilespmem:s2+$0xFFFFFFF0] =	vst v12  }
0x185: {  	[tilespmem:s2+$0x0] =	vst v12  }
0x186: {  	s31 =	sand.u32 $0xFFFFFD80, s21;
	[tilespmem:s2+$0xFFFFFFA0] =	vst v12  }
0x187: {  	s0 =	simm.s32 $0x0;
	s9 =	smov.u32 s21;
	[tilespmem:s31+$0x4F0] =	vst v12;
	s2 =	sadd.s32 $0x400, s2  }
.LBB2_48:
0x188: {  	[tilespmem:s2+$0xFFFFFFB0] =	vst v12  }
0x189: {  	s1 =	sadd.s32 $0x8, s1;
	[tilespmem:s2+$0xFFFFFFC0] =	vst v12  }
0x18a: {  	p1 =	slt.u32 s1, s5;
	[tilespmem:s2+$0xFFFFFFD0] =	vst v12  }
.Ltmp27:
0x18b: {  	[tilespmem:s2+$0xFFFFFFE0] =	vst v12;
	(pc) =	sbr.rel @p1 .LBB2_48-.Ltmp27, $4  }
0x18c: {  	[tilespmem:s2+$0xFFFFFFF0] =	vst v12  }
0x18d: {  	s9 =	sadd.s32 $0x400, s9;
	[tilespmem:s2+$0x0] =	vst v12  }
0x18e: {  	s10 =	sand.u32 $0xFFFFFD80, s9;
	[tilespmem:s2+$0xFFFFFFA0] =	vst v12  }
0x18f: {  	s2 =	sadd.s32 $0x400, s2;
	[tilespmem:s10+$0x4F0] =	vst v12  }
.LBB2_49:
0x190: {  	s2 =	rddreg [dreg:$0x14]  }
0x191: {  	s1 =	sadd.s32 $0x8, s0;
	[tilespmem:s2+$0xFFFFFF90] =	vst v12  }
0x192: {  	[tilespmem:s2+$0x0] =	vst v12;
	p1 =	slt.u32 s1, s5  }
.Ltmp28:
0x193: {  	[tilespmem:s2+$0xFFFFFFF0] =	vst v12;
	(pc) =	sbr.rel @!p1 .LBB2_51-.Ltmp28, $4  }
0x194: {  	[tilespmem:s2+$0xFFFFFFE0] =	vst v12  }
0x195: {  	[tilespmem:s2+$0xFFFFFFD0] =	vst v12  }
0x196: {  	[tilespmem:s2+$0xFFFFFFC0] =	vst v12  }
0x197: {  	[tilespmem:s2+$0xFFFFFFB0] =	vst v12  }
.LBB2_50:
0x198: {  	s1 =	sadd.s32 $0x8, s1;
	[tilespmem:s2+$0xFFFFFFA0] =	vst v12;
	s2 =	sadd.s32 $0x400, s2  }
0x199: {  	[tilespmem:s2+$0xFFFFFF90] =	vst v12;
	p1 =	slt.u32 s1, s5  }
0x19a: {  	[tilespmem:s2+$0x0] =	vst v12  }
.Ltmp29:
0x19b: {  	[tilespmem:s2+$0xFFFFFFF0] =	vst v12;
	(pc) =	sbr.rel @p1 .LBB2_50-.Ltmp29, $4  }
0x19c: {  	[tilespmem:s2+$0xFFFFFFE0] =	vst v12  }
0x19d: {  	[tilespmem:s2+$0xFFFFFFD0] =	vst v12  }
0x19e: {  	[tilespmem:s2+$0xFFFFFFC0] =	vst v12  }
0x19f: {  	[tilespmem:s2+$0xFFFFFFB0] =	vst v12  }
.LBB2_51:
0x1a0: {  	[tilespmem:s2+$0xFFFFFFA0] =	vst v12;
	s31 =	sand.u32 $0xFFFFFE80, s21  }
0x1a1: {  	s2 =	rddreg [dreg:$0x15];
	[tilespmem:s31+$0x4F0] =	vst v12  }
0x1a2: {  	s1 =	sadd.s32 $0x8, s0;
	[tilespmem:s2+$0xFFFFFFB0] =	vst v12  }
0x1a3: {  	p1 =	slt.u32 s1, s5;
	[tilespmem:s2+$0xFFFFFFC0] =	vst v12  }
.Ltmp30:
0x1a4: {  	[tilespmem:s2+$0xFFFFFFD0] =	vst v12;
	(pc) =	sbr.rel @!p1 .LBB2_53-.Ltmp30, $4  }
0x1a5: {  	[tilespmem:s2+$0xFFFFFFE0] =	vst v12  }
0x1a6: {  	[tilespmem:s2+$0xFFFFFFF0] =	vst v12  }
0x1a7: {  	[tilespmem:s2+$0x0] =	vst v12  }
0x1a8: {  	s0 =	simm.s32 $0x0;
	s9 =	smov.u32 s21;
	[tilespmem:s2+$0xFFFFFFA0] =	vst v12;
	s2 =	sadd.s32 $0x400, s2  }
.LBB2_52:
0x1a9: {  	[tilespmem:s2+$0xFFFFFFB0] =	vst v12  }
0x1aa: {  	s1 =	sadd.s32 $0x8, s1;
	[tilespmem:s2+$0xFFFFFFC0] =	vst v12  }
0x1ab: {  	p1 =	slt.u32 s1, s5;
	[tilespmem:s2+$0xFFFFFFD0] =	vst v12  }
.Ltmp31:
0x1ac: {  	[tilespmem:s2+$0xFFFFFFE0] =	vst v12;
	(pc) =	sbr.rel @p1 .LBB2_52-.Ltmp31, $4  }
0x1ad: {  	[tilespmem:s2+$0xFFFFFFF0] =	vst v12  }
0x1ae: {  	s9 =	sadd.s32 $0x400, s9;
	[tilespmem:s2+$0x0] =	vst v12  }
0x1af: {  	s10 =	sand.u32 $0xFFFFFE80, s9;
	[tilespmem:s2+$0xFFFFFFA0] =	vst v12  }
0x1b0: {  	s2 =	sadd.s32 $0x400, s2;
	[tilespmem:s10+$0x4F0] =	vst v12  }
.LBB2_53:
0x1b1: {  	s2 =	rddreg [dreg:$0x16]  }
0x1b2: {  	s1 =	sadd.s32 $0x8, s0;
	[tilespmem:s2+$0xFFFFFF90] =	vst v12  }
0x1b3: {  	[tilespmem:s2+$0x0] =	vst v12;
	p1 =	slt.u32 s1, s5  }
.Ltmp32:
0x1b4: {  	[tilespmem:s2+$0xFFFFFFF0] =	vst v12;
	(pc) =	sbr.rel @!p1 .LBB2_55-.Ltmp32, $4  }
0x1b5: {  	[tilespmem:s2+$0xFFFFFFE0] =	vst v12  }
0x1b6: {  	[tilespmem:s2+$0xFFFFFFD0] =	vst v12  }
0x1b7: {  	[tilespmem:s2+$0xFFFFFFC0] =	vst v12  }
0x1b8: {  	[tilespmem:s2+$0xFFFFFFB0] =	vst v12  }
.LBB2_54:
0x1b9: {  	s1 =	sadd.s32 $0x8, s1;
	[tilespmem:s2+$0xFFFFFFA0] =	vst v12;
	s2 =	sadd.s32 $0x400, s2  }
0x1ba: {  	[tilespmem:s2+$0xFFFFFF90] =	vst v12;
	p1 =	slt.u32 s1, s5  }
0x1bb: {  	[tilespmem:s2+$0x0] =	vst v12  }
.Ltmp33:
0x1bc: {  	[tilespmem:s2+$0xFFFFFFF0] =	vst v12;
	(pc) =	sbr.rel @p1 .LBB2_54-.Ltmp33, $4  }
0x1bd: {  	[tilespmem:s2+$0xFFFFFFE0] =	vst v12  }
0x1be: {  	[tilespmem:s2+$0xFFFFFFD0] =	vst v12  }
0x1bf: {  	[tilespmem:s2+$0xFFFFFFC0] =	vst v12  }
0x1c0: {  	[tilespmem:s2+$0xFFFFFFB0] =	vst v12  }
.LBB2_55:
0x1c1: {  	[tilespmem:s2+$0xFFFFFFA0] =	vst v12;
	s1 =	sadd.s32 $0xFFFFFD80, s19;
	s21 =	sor.u32 $0x3E0, s19  }
0x1c2: {  	s9 =	sadd.s32 $0xFFFFFE00, s19;
	s1 =	sor.u32 $0x390, s1;
	[tilespmem:s21+$0x480] =	vst v12  }
0x1c3: {  	s25 =	sadd.s32 $0xFFFFFE80, s19;
	s0 =	sadd.s32 $0x8, s0;
	s24 =	sor.u32 $0x3A0, s9;
	[tilespmem:s1+$0x480] =	vst v12  }
0x1c4: {  	s28 =	sadd.s32 $0xFFFFFF00, s19;
	s26 =	sor.u32 $0x3B0, s25;
	p1 =	slt.u32 s0, s5;
	[tilespmem:s24+$0x480] =	vst v12  }
.Ltmp34:
0x1c5: {  	s30 =	sadd.s32 $0xFFFFFF80, s19;
	s29 =	sor.u32 $0x3C0, s28;
	[tilespmem:s26+$0x480] =	vst v12;
	(pc) =	sbr.rel @!p1 .LBB2_57-.Ltmp34, $4  }
0x1c6: {  	s31 =	sor.u32 $0x3D0, s30;
	[tilespmem:s29+$0x480] =	vst v12  }
0x1c7: {  	[tilespmem:s31+$0x480] =	vst v12  }
0x1c8: {  	s9 =	rddreg [dreg:$0x17]  }
0x1c9: {  	s2 =	sadd.s32 $0x400, s19;
	[tilespmem:s9+$0x0] =	vst v12;
	s1 =	sadd.s32 $0x400, s9  }
.LBB2_56:
0x1ca: {  	s10 =	sadd.s32 $0xFFFFFD80, s2;
	s11 =	sor.u32 $0x3E0, s2;
	s0 =	sadd.s32 $0x8, s0;
	[tilespmem:s9+$0x70] =	vst v12  }
0x1cb: {  	s9 =	sor.u32 $0x390, s10;
	s10 =	sadd.s32 $0xFFFFFE00, s2;
	[tilespmem:s11+$0x480] =	vst v12;
	p1 =	slt.u32 s0, s5  }
0x1cc: {  	s11 =	sadd.s32 $0xFFFFFE80, s2;
	[tilespmem:s9+$0x480] =	vst v12;
	s10 =	sor.u32 $0x3A0, s10;
	s9 =	smov.u32 s1  }
.Ltmp35:
0x1cd: {  	[tilespmem:s10+$0x480] =	vst v12;
	s10 =	sor.u32 $0x3B0, s11;
	s11 =	sadd.s32 $0xFFFFFF00, s2;
	(pc) =	sbr.rel @p1 .LBB2_56-.Ltmp35, $4  }
0x1ce: {  	[tilespmem:s10+$0x480] =	vst v12;
	s10 =	sor.u32 $0x3C0, s11;
	s11 =	sadd.s32 $0xFFFFFF80, s2  }
0x1cf: {  	[tilespmem:s10+$0x480] =	vst v12;
	s10 =	sor.u32 $0x3D0, s11  }
0x1d0: {  	[tilespmem:s10+$0x480] =	vst v12  }
0x1d1: {  	s1 =	sadd.s32 $0x400, s1;
	s2 =	sadd.s32 $0x400, s2;
	[tilespmem:s9+$0x0] =	vst v12  }
.LBB2_57:
0x1d2: {  	[tilespmem:s9+$0x70] =	vst v12  }
0x1d3: {  	s1 =	rddreg [dreg:$0x4]  }
0x1d4: {  	s2 =	rddreg [dreg:$0x5]  }
0x1d5: {  	s21 =	rddreg [dreg:$0x6]  }
0x1d6: {  	s24 =	rddreg [dreg:$0x7]  }
0x1d7: {  	s25 =	rddreg [dreg:$0x8]  }
0x1d8: {  	s26 =	rddreg [dreg:$0x9]  }
0x1d9: {  	s0 =	simm.s32 $0x0;
	s28 =	rddreg [dreg:$0xa]  }
0x1da: {  	[hbm4b:s2+s0] =	stream.linear.scatter [tilespmem:s1], [sflag:$0x1], $0x8000, $0x38;
	[tilespmem:$0x10480] =	vst v63  }
0x1db: {  	s29 =	rddreg [dreg:$0xb]  }
0x1dc: {  	[hbm4b:s24+s0] =	stream.linear.scatter [tilespmem:s21], [sflag:$0x1], $0x8000, $0x38;
	[tilespmem:$0x10480] =	vst v63  }
0x1dd: {  	s30 =	rddreg [dreg:$0xc]  }
0x1de: {  	[hbm4b:s26+s0] =	stream.linear.scatter [tilespmem:s25], [sflag:$0x1], $0x8000, $0x38;
	[tilespmem:$0x10480] =	vst v63  }
0x1df: {  	s31 =	rddreg [dreg:$0xd]  }
0x1e0: {  	[hbm4b:s29+s0] =	stream.linear.scatter [tilespmem:s28], [sflag:$0x1], $0x8000, $0x38;
	[tilespmem:$0x10480] =	vst v63  }
0x1e1: {  	s2 =	rddreg [dreg:$0x18]  }
0x1e2: {  	v10 =	vpsel p0, v10, v11;
	[hbm4b:s31+s0] =	stream.linear.scatter [tilespmem:s30], [sflag:$0x1], $0x8000, $0x38;
	[tilespmem:$0x10480] =	vst v63  }
0x1e3: {  	[tilespmem:s2+$0xFFFFFFC0] =	vst v10  }
0x1e4: {  	p1 =	sgt.u32 s6, $0x8;
	[tilespmem:s2+$0x30] =	vst v10  }
.Ltmp36:
0x1e5: {  	[tilespmem:s2+$0x20] =	vst v10;
	(pc) =	sbr.rel @!p1 .LBB2_59-.Ltmp36, $4  }
0x1e6: {  	[tilespmem:s2+$0x10] =	vst v10  }
0x1e7: {  	[tilespmem:s2+$0x0] =	vst v10  }
0x1e8: {  	[tilespmem:s2+$0xFFFFFFF0] =	vst v10  }
0x1e9: {  	s1 =	simm.s32 $0x8;
	[tilespmem:s2+$0xFFFFFFE0] =	vst v10  }
.LBB2_58:
0x1ea: {  	s1 =	sadd.s32 $0x8, s1;
	[tilespmem:s2+$0xFFFFFFD0] =	vst v10;
	s2 =	sadd.s32 $0x400, s2  }
0x1eb: {  	[tilespmem:s2+$0xFFFFFFC0] =	vst v10;
	p1 =	slt.u32 s1, s6  }
0x1ec: {  	[tilespmem:s2+$0x30] =	vst v10  }
.Ltmp37:
0x1ed: {  	[tilespmem:s2+$0x20] =	vst v10;
	(pc) =	sbr.rel @p1 .LBB2_58-.Ltmp37, $4  }
0x1ee: {  	[tilespmem:s2+$0x10] =	vst v10  }
0x1ef: {  	[tilespmem:s2+$0x0] =	vst v10  }
0x1f0: {  	[tilespmem:s2+$0xFFFFFFF0] =	vst v10  }
0x1f1: {  	[tilespmem:s2+$0xFFFFFFE0] =	vst v10  }
.LBB2_59:
0x1f2: {  	[tilespmem:s2+$0xFFFFFFD0] =	vst v10;
	s9 =	sand.u32 $0xFFFFFC80, s20  }
0x1f3: {  	s10 =	rddreg [dreg:$0x1a];
	[tilespmem:s9+$0x4F0] =	vst v10  }
0x1f4: {  	[tilespmem:s10+$0x10] =	vst v10  }
0x1f5: {  	p1 =	sgt.u32 s6, $0x8;
	[tilespmem:s10+$0x20] =	vst v10  }
.Ltmp38:
0x1f6: {  	[tilespmem:s10+$0x40] =	vst v10;
	(pc) =	sbr.rel @!p1 .LBB2_61-.Ltmp38, $4  }
0x1f7: {  	s1 =	sadd.s32 $0xFFFFFF00, s20;
	[tilespmem:s10+$0x60] =	vst v10  }
0x1f8: {  	s31 =	sadd.s32 $0xFFFFFE00, s20;
	s1 =	sand.u32 $0xFFFFFC80, s1;
	[tilespmem:s10+$0x0] =	vst v10  }
0x1f9: {  	s2 =	sand.u32 $0xFFFFFC80, s31;
	[tilespmem:s1+$0x4D0] =	vst v10  }
0x1fa: {  	s9 =	smov.u32 s20;
	[tilespmem:s2+$0x4B0] =	vst v10;
	s1 =	simm.s32 $0x8;
	s2 =	sadd.s32 $0x400, s10  }
.LBB2_60:
0x1fb: {  	[tilespmem:s2+$0x10] =	vst v10  }
0x1fc: {  	s1 =	sadd.s32 $0x8, s1;
	[tilespmem:s2+$0x20] =	vst v10  }
0x1fd: {  	s9 =	sadd.s32 $0x400, s9;
	p1 =	slt.u32 s1, s6;
	[tilespmem:s2+$0x40] =	vst v10  }
.Ltmp39:
0x1fe: {  	s10 =	sadd.s32 $0xFFFFFE00, s9;
	s11 =	sadd.s32 $0xFFFFFF00, s9;
	[tilespmem:s2+$0x60] =	vst v10;
	(pc) =	sbr.rel @p1 .LBB2_60-.Ltmp39, $4  }
0x1ff: {  	s10 =	sand.u32 $0xFFFFFC80, s10;
	s11 =	sand.u32 $0xFFFFFC80, s11;
	[tilespmem:s2+$0x0] =	vst v10  }
0x200: {  	s2 =	sadd.s32 $0x400, s2;
	[tilespmem:s11+$0x4D0] =	vst v10;
	s11 =	sand.u32 $0xFFFFFC80, s9  }
0x201: {  	[tilespmem:s10+$0x4B0] =	vst v10  }
0x202: {  	[tilespmem:s11+$0x4F0] =	vst v10  }
.LBB2_61:
0x203: {  	s2 =	rddreg [dreg:$0x1c]  }
0x204: {  	[tilespmem:s2+$0xFFFFFFC0] =	vst v10  }
0x205: {  	s1 =	sadd.s32 $0x8, s0;
	[tilespmem:s2+$0xFFFFFFD0] =	vst v10  }
0x206: {  	[tilespmem:s2+$0xFFFFFFE0] =	vst v10;
	p1 =	slt.u32 s1, s6  }
.Ltmp40:
0x207: {  	[tilespmem:s2+$0xFFFFFFF0] =	vst v10;
	(pc) =	sbr.rel @!p1 .LBB2_63-.Ltmp40, $4  }
0x208: {  	[tilespmem:s2+$0x0] =	vst v10  }
0x209: {  	s9 =	sand.u32 $0xFFFFFD00, s22;
	[tilespmem:s2+$0xFFFFFFB0] =	vst v10  }
0x20a: {  	[tilespmem:s9+$0x4F0] =	vst v10  }
0x20b: {  	s2 =	sadd.s32 $0x400, s2;
	[tilespmem:s9+$0x4E0] =	vst v10;
	s9 =	smov.u32 s22  }
.LBB2_62:
0x20c: {  	[tilespmem:s2+$0xFFFFFFC0] =	vst v10  }
0x20d: {  	s1 =	sadd.s32 $0x8, s1;
	[tilespmem:s2+$0xFFFFFFD0] =	vst v10  }
0x20e: {  	p1 =	slt.u32 s1, s6;
	[tilespmem:s2+$0xFFFFFFE0] =	vst v10  }
.Ltmp41:
0x20f: {  	[tilespmem:s2+$0xFFFFFFF0] =	vst v10;
	(pc) =	sbr.rel @p1 .LBB2_62-.Ltmp41, $4  }
0x210: {  	s9 =	sadd.s32 $0x400, s9;
	[tilespmem:s2+$0x0] =	vst v10  }
0x211: {  	s10 =	sand.u32 $0xFFFFFD00, s9;
	[tilespmem:s2+$0xFFFFFFB0] =	vst v10  }
0x212: {  	s2 =	sadd.s32 $0x400, s2;
	[tilespmem:s10+$0x4F0] =	vst v10  }
0x213: {  	[tilespmem:s10+$0x4E0] =	vst v10  }
.LBB2_63:
0x214: {  	s2 =	rddreg [dreg:$0x1d]  }
0x215: {  	[tilespmem:s2+$0xFFFFFFB0] =	vst v10  }
0x216: {  	s1 =	sadd.s32 $0x8, s0;
	[tilespmem:s2+$0xFFFFFFC0] =	vst v10  }
0x217: {  	[tilespmem:s2+$0xFFFFFFD0] =	vst v10;
	p1 =	slt.u32 s1, s6  }
.Ltmp42:
0x218: {  	[tilespmem:s2+$0xFFFFFFE0] =	vst v10;
	(pc) =	sbr.rel @!p1 .LBB2_65-.Ltmp42, $4  }
0x219: {  	[tilespmem:s2+$0xFFFFFFF0] =	vst v10  }
0x21a: {  	[tilespmem:s2+$0x0] =	vst v10  }
0x21b: {  	s31 =	sand.u32 $0xFFFFFD80, s20;
	[tilespmem:s2+$0xFFFFFFA0] =	vst v10  }
0x21c: {  	s0 =	simm.s32 $0x0;
	s9 =	smov.u32 s20;
	[tilespmem:s31+$0x4F0] =	vst v10;
	s2 =	sadd.s32 $0x400, s2  }
.LBB2_64:
0x21d: {  	[tilespmem:s2+$0xFFFFFFB0] =	vst v10  }
0x21e: {  	s1 =	sadd.s32 $0x8, s1;
	[tilespmem:s2+$0xFFFFFFC0] =	vst v10  }
0x21f: {  	p1 =	slt.u32 s1, s6;
	[tilespmem:s2+$0xFFFFFFD0] =	vst v10  }
.Ltmp43:
0x220: {  	[tilespmem:s2+$0xFFFFFFE0] =	vst v10;
	(pc) =	sbr.rel @p1 .LBB2_64-.Ltmp43, $4  }
0x221: {  	[tilespmem:s2+$0xFFFFFFF0] =	vst v10  }
0x222: {  	s9 =	sadd.s32 $0x400, s9;
	[tilespmem:s2+$0x0] =	vst v10  }
0x223: {  	s10 =	sand.u32 $0xFFFFFD80, s9;
	[tilespmem:s2+$0xFFFFFFA0] =	vst v10  }
0x224: {  	s2 =	sadd.s32 $0x400, s2;
	[tilespmem:s10+$0x4F0] =	vst v10  }
.LBB2_65:
0x225: {  	s2 =	rddreg [dreg:$0x1e]  }
0x226: {  	s1 =	sadd.s32 $0x8, s0;
	[tilespmem:s2+$0xFFFFFF90] =	vst v10  }
0x227: {  	[tilespmem:s2+$0x0] =	vst v10;
	p1 =	slt.u32 s1, s6  }
.Ltmp44:
0x228: {  	[tilespmem:s2+$0xFFFFFFF0] =	vst v10;
	(pc) =	sbr.rel @!p1 .LBB2_67-.Ltmp44, $4  }
0x229: {  	[tilespmem:s2+$0xFFFFFFE0] =	vst v10  }
0x22a: {  	[tilespmem:s2+$0xFFFFFFD0] =	vst v10  }
0x22b: {  	[tilespmem:s2+$0xFFFFFFC0] =	vst v10  }
0x22c: {  	[tilespmem:s2+$0xFFFFFFB0] =	vst v10  }
.LBB2_66:
0x22d: {  	s1 =	sadd.s32 $0x8, s1;
	[tilespmem:s2+$0xFFFFFFA0] =	vst v10;
	s2 =	sadd.s32 $0x400, s2  }
0x22e: {  	[tilespmem:s2+$0xFFFFFF90] =	vst v10;
	p1 =	slt.u32 s1, s6  }
0x22f: {  	[tilespmem:s2+$0x0] =	vst v10  }
.Ltmp45:
0x230: {  	[tilespmem:s2+$0xFFFFFFF0] =	vst v10;
	(pc) =	sbr.rel @p1 .LBB2_66-.Ltmp45, $4  }
0x231: {  	[tilespmem:s2+$0xFFFFFFE0] =	vst v10  }
0x232: {  	[tilespmem:s2+$0xFFFFFFD0] =	vst v10  }
0x233: {  	[tilespmem:s2+$0xFFFFFFC0] =	vst v10  }
0x234: {  	[tilespmem:s2+$0xFFFFFFB0] =	vst v10  }
.LBB2_67:
0x235: {  	[tilespmem:s2+$0xFFFFFFA0] =	vst v10;
	s31 =	sand.u32 $0xFFFFFE80, s20  }
0x236: {  	s2 =	rddreg [dreg:$0x1f];
	[tilespmem:s31+$0x4F0] =	vst v10  }
0x237: {  	s1 =	sadd.s32 $0x8, s0;
	[tilespmem:s2+$0xFFFFFFB0] =	vst v10  }
0x238: {  	p1 =	slt.u32 s1, s6;
	[tilespmem:s2+$0xFFFFFFC0] =	vst v10  }
.Ltmp46:
0x239: {  	[tilespmem:s2+$0xFFFFFFD0] =	vst v10;
	(pc) =	sbr.rel @!p1 .LBB2_69-.Ltmp46, $4  }
0x23a: {  	[tilespmem:s2+$0xFFFFFFE0] =	vst v10  }
0x23b: {  	[tilespmem:s2+$0xFFFFFFF0] =	vst v10  }
0x23c: {  	[tilespmem:s2+$0x0] =	vst v10  }
0x23d: {  	s0 =	simm.s32 $0x0;
	s9 =	smov.u32 s20;
	[tilespmem:s2+$0xFFFFFFA0] =	vst v10;
	s2 =	sadd.s32 $0x400, s2  }
.LBB2_68:
0x23e: {  	[tilespmem:s2+$0xFFFFFFB0] =	vst v10  }
0x23f: {  	s1 =	sadd.s32 $0x8, s1;
	[tilespmem:s2+$0xFFFFFFC0] =	vst v10  }
0x240: {  	p1 =	slt.u32 s1, s6;
	[tilespmem:s2+$0xFFFFFFD0] =	vst v10  }
.Ltmp47:
0x241: {  	[tilespmem:s2+$0xFFFFFFE0] =	vst v10;
	(pc) =	sbr.rel @p1 .LBB2_68-.Ltmp47, $4  }
0x242: {  	[tilespmem:s2+$0xFFFFFFF0] =	vst v10  }
0x243: {  	s9 =	sadd.s32 $0x400, s9;
	[tilespmem:s2+$0x0] =	vst v10  }
0x244: {  	s10 =	sand.u32 $0xFFFFFE80, s9;
	[tilespmem:s2+$0xFFFFFFA0] =	vst v10  }
0x245: {  	s2 =	sadd.s32 $0x400, s2;
	[tilespmem:s10+$0x4F0] =	vst v10  }
.LBB2_69:
0x246: {  	s2 =	sld [smem:$0x7FC];
	_ =	sdelay $0x2  }
0x247: {  	s1 =	sadd.s32 $0x8, s0;
	[tilespmem:s2+$0xFFFFFF90] =	vst v10  }
0x248: {  	p1 =	slt.u32 s1, s6;
	[tilespmem:s2+$0x0] =	vst v10  }
.Ltmp48:
0x249: {  	[tilespmem:s2+$0xFFFFFFF0] =	vst v10;
	(pc) =	sbr.rel @!p1 .LBB2_71-.Ltmp48, $4  }
0x24a: {  	[tilespmem:s2+$0xFFFFFFE0] =	vst v10  }
0x24b: {  	[tilespmem:s2+$0xFFFFFFD0] =	vst v10  }
0x24c: {  	[tilespmem:s2+$0xFFFFFFC0] =	vst v10  }
0x24d: {  	[tilespmem:s2+$0xFFFFFFB0] =	vst v10  }
.LBB2_70:
0x24e: {  	s1 =	sadd.s32 $0x8, s1;
	[tilespmem:s2+$0xFFFFFFA0] =	vst v10;
	s2 =	sadd.s32 $0x400, s2  }
0x24f: {  	[tilespmem:s2+$0xFFFFFF90] =	vst v10;
	p1 =	slt.u32 s1, s6  }
0x250: {  	[tilespmem:s2+$0x0] =	vst v10  }
.Ltmp49:
0x251: {  	[tilespmem:s2+$0xFFFFFFF0] =	vst v10;
	(pc) =	sbr.rel @p1 .LBB2_70-.Ltmp49, $4  }
0x252: {  	[tilespmem:s2+$0xFFFFFFE0] =	vst v10  }
0x253: {  	[tilespmem:s2+$0xFFFFFFD0] =	vst v10  }
0x254: {  	[tilespmem:s2+$0xFFFFFFC0] =	vst v10  }
0x255: {  	[tilespmem:s2+$0xFFFFFFB0] =	vst v10  }
.LBB2_71:
0x256: {  	[tilespmem:s2+$0xFFFFFFA0] =	vst v10;
	s1 =	sadd.s32 $0xFFFFFD80, s22;
	s24 =	sor.u32 $0x3E0, s22  }
0x257: {  	s9 =	sadd.s32 $0xFFFFFE00, s22;
	s1 =	sor.u32 $0x390, s1;
	[tilespmem:s24+$0x480] =	vst v10  }
0x258: {  	s26 =	sadd.s32 $0xFFFFFE80, s22;
	s25 =	sor.u32 $0x3A0, s9;
	[tilespmem:s1+$0x480] =	vst v10  }
0x259: {  	s29 =	sadd.s32 $0xFFFFFF00, s22;
	s28 =	sor.u32 $0x3B0, s26;
	[tilespmem:s25+$0x480] =	vst v10  }
0x25a: {  	s30 =	sadd.s32 $0xFFFFFF80, s22;
	s2 =	sor.u32 $0x3C0, s29;
	[tilespmem:s28+$0x480] =	vst v10;
	s1 =	sadd.s32 $0x8, s0  }
0x25b: {  	s31 =	sor.u32 $0x3D0, s30;
	[tilespmem:s2+$0x480] =	vst v10;
	p1 =	slt.u32 s1, s6  }
.Ltmp50:
0x25c: {  	[tilespmem:s31+$0x480] =	vst v10;
	(pc) =	sbr.rel @!p1 .LBB2_72-.Ltmp50, $2  }
0x25d: {  	s10 =	sld [smem:$0x7FD];
	_ =	sdelay $0x2  }
0x25e: {  	s9 =	sadd.s32 $0x400, s22;
	s0 =	simm.s32 $0x5;
	[tilespmem:s10+$0x0] =	vst v10;
	s2 =	sadd.s32 $0x400, s10  }
.LBB2_73:
0x25f: {  	s11 =	sadd.s32 $0xFFFFFD80, s9;
	s12 =	sor.u32 $0x3E0, s9;
	s1 =	sadd.s32 $0x8, s1;
	[tilespmem:s10+$0x70] =	vst v10  }
0x260: {  	s10 =	sor.u32 $0x390, s11;
	s11 =	sadd.s32 $0xFFFFFE00, s9;
	[tilespmem:s12+$0x480] =	vst v10;
	p1 =	slt.u32 s1, s6  }
0x261: {  	s12 =	sadd.s32 $0xFFFFFE80, s9;
	[tilespmem:s10+$0x480] =	vst v10;
	s11 =	sor.u32 $0x3A0, s11;
	s10 =	smov.u32 s2  }
.Ltmp51:
0x262: {  	[tilespmem:s11+$0x480] =	vst v10;
	s11 =	sor.u32 $0x3B0, s12;
	s12 =	sadd.s32 $0xFFFFFF00, s9;
	(pc) =	sbr.rel @p1 .LBB2_73-.Ltmp51, $4  }
0x263: {  	[tilespmem:s11+$0x480] =	vst v10;
	s11 =	sor.u32 $0x3C0, s12;
	s12 =	sadd.s32 $0xFFFFFF80, s9  }
0x264: {  	[tilespmem:s11+$0x480] =	vst v10;
	s11 =	sor.u32 $0x3D0, s12  }
0x265: {  	[tilespmem:s11+$0x480] =	vst v10  }
0x266: {  	s2 =	sadd.s32 $0x400, s2;
	s9 =	sadd.s32 $0x400, s9;
	[tilespmem:s10+$0x0] =	vst v10  }
.LBB2_74:
0x267: {  	p2 =	sne.s32 s0, $0xF  }
.Ltmp52:
0x268: {  	_ = 	snop;
	(pc) =	sbr.rel @!p2 .LBB2_77-.Ltmp52, $3  }
0x269: {  	_ =	sdelay $0x1  }
0x26a: {  	s1 =	sadd.s32 $0xFFFFFFFB, s0  }
0x26b: {  	[tilespmem:s10+$0x70] =	vst v10;
	s2 =	sadd.s32 $0x1, s0;
	p1 =	por $0x0, $0x0;
	s1 =	smov.u32 @p0 s0  }
0x26c: {  	s0 =	sadd.s32 s7, s1;
	p2 =	sne.s32 s2, $0xF  }
.Ltmp53:
0x26d: {  	s1 =	sshll.u32 s0, $0xA;
	s9 =	sshll.u32 s0, $0x10;
	(pc) =	sbr.rel @!p2 .LBB2_77-.Ltmp53, $4  }
0x26e: {  	s1 =	ssub.s32 $0x8080, s1;
	s9 =	sadd.s32 s9, s8  }
0x26f: {  	[hbm4b:s9+s3] =	stream.linear.scatter [tilespmem:s1], [sflag:$0x1], $0x8000, $0x38;
	[tilespmem:$0x10480] =	vst v63  }
0x270: {  	p1 =	por $0x1, $0x1;
	s1 =	sadd.s32 $0xFFFFFFFB, s2;
	_ =	swait.ge [sflag:s15], $0x8000  }
0x271: {  	s0 =	sadd.s32 $0x1, s2;
	s1 =	smov.u32 @p0 s2;
	[sflag:s15] =	ssyncset.done $0x0  }
.LBB2_76:
0x272: {  	s1 =	sadd.s32 s7, s1;
	[sflag:s15] =	ssyncadd.s32 $0xFFFF8000  }
0x273: {  	s2 =	smov.u32 s0;
	s9 =	sadd.s32 $0x1, s0;
	p2 =	sne.s32 s0, $0xF  }
.Ltmp54:
0x274: {  	s10 =	sshll.u32 s1, $0xA;
	s1 =	sshll.u32 s1, $0x10;
	(pc) =	sbr.rel @p2 .LBB2_76-.Ltmp54, $4  }
0x275: {  	s0 =	ssub.s32 $0x8080, s10;
	s1 =	sadd.s32 s1, s8  }
0x276: {  	[hbm4b:s1+s3] =	stream.linear.scatter [tilespmem:s0], [sflag:$0x1], $0x8000, $0x38;
	[tilespmem:$0x10480] =	vst v63  }
0x277: {  	s1 =	sadd.s32 $0xFFFFFFFB, s2;
	_ =	swait.ge [sflag:s15], $0x8000  }
0x278: {  	s0 =	smov.u32 s9;
	s1 =	smov.u32 @p0 s2;
	[sflag:s15] =	ssyncset.done $0x0  }
.LBB2_77:
0x279: {  	s0 =	sadd.s32 s7, s1  }
0x27a: {  	s1 =	sshll.u32 s0, $0xA;
	s0 =	sshll.u32 s0, $0x10  }
0x27b: {  	[sflag:s15] =	ssyncadd.s32 @p1 $0xFFFF8000;
	s1 =	ssub.s32 $0x8080, s1;
	s0 =	sadd.s32 s0, s8  }
0x27c: {  	[hbm4b:s0+s3] =	stream.linear.scatter [tilespmem:s1], [sflag:$0x1], $0x8000, $0x38;
	[tilespmem:$0x10480] =	vst v63  }
0x27d: {  	_ =	swait.ge [sflag:s15], $0x8000  }
0x27e: {  	[sflag:s15] =	ssyncset.done $0x0  }
0x27f: {  	[sflag:s15] =	ssyncadd.s32 $0xFFFF8000  }
0x280: {  	_ =	swait.ge [sflag:s15], $0x8000  }
0x281: {  	[sflag:s15] =	ssyncset.done $0x0  }
0x282: {  	[sflag:s15] =	ssyncadd.s32 $0xFFFF8000  }
0x283: {  	_ =	swait.ge [sflag:s15], $0x8000  }
0x284: {  	[sflag:s15] =	ssyncset.done $0x0  }
0x285: {  	[sflag:s15] =	ssyncadd.s32 $0xFFFF8000  }
0x286: {  	_ =	swait.ge [sflag:s15], $0x8000  }
0x287: {  	[sflag:s15] =	ssyncset.done $0x0  }
0x288: {  	[sflag:s15] =	ssyncadd.s32 $0xFFFF8000  }
0x289: {  	_ =	swait.ge [sflag:s15], $0x8000  }
0x28a: {  	[sflag:s15] =	ssyncset.done $0x0  }
0x28b: {  	[sflag:s15] =	ssyncadd.s32 $0xFFFF8000  }
0x28c: {  	_ =	swait.ge [sflag:s15], $0x8000  }
0x28d: {  	s23 =	sadd.s32 $0x1, s23;
	s31 =	rddreg [dreg:$0x3]  }
0x28e: {  	p1 =	sne.s32 s23, s31  }
.Ltmp55:
0x28f: {  	_ = 	snop;
	(pc) =	sbr.rel @p1 .LBB2_1-.Ltmp55, $4  }
.Ltmp56:
0x290: {  	_ = 	snop;
	(pc) =	sbr.rel @!p1 .LBB2_78-.Ltmp56, $4  }
0x291: {  	_ = 	snop  }
0x292: {  	[sflag:s15] =	ssyncset.done $0x0  }
0x293: {  	[sflag:s15] =	ssyncadd.s32 $0xFFFF8000  }
0x294: {  	_ = 	snop  }
.LBB2_6:
.Ltmp57:
0x295: {  	(pc) =	sbr.rel .LBB2_11-.Ltmp57, $3  }
0x296: {  	_ =	sdelay $0x1  }
0x297: {  	s12 =	smov.u32 s19;
	s10 =	smov.u32 s14;
	s2 =	simm.s32 $0x6D80  }
0x298: {  	s0 =	simm.s32 $0xDA0;
	s20 =	smov.u32 s22;
	p3 =	por $0x0, $0x0  }
.LBB2_12:
.Ltmp58:
0x299: {  	(pc) =	sbr.rel .LBB2_17-.Ltmp58, $2  }
0x29a: {  	_ =	sdelay $0x2  }
0x29b: {  	s11 =	simm.s32 $0x6D80;
	p1 =	por $0x0, $0x0  }
.LBB2_18:
.Ltmp59:
0x29c: {  	(pc) =	sbr.rel .LBB2_23-.Ltmp59, $3  }
0x29d: {  	_ =	sdelay $0x1  }
0x29e: {  	s10 =	smov.u32 s16;
	p5 =	por p2, p2  }
0x29f: {  	s20 =	smov.u32 s18;
	s0 =	smov.u32 s30;
	p4 =	por $0x0, $0x0  }
.LBB2_24:
.Ltmp60:
0x2a0: {  	(pc) =	sbr.rel .LBB2_29-.Ltmp60, $2  }
0x2a1: {  	_ =	sdelay $0x2  }
0x2a2: {  	s11 =	simm.s32 $0x0;
	p3 =	por $0x0, $0x0  }
.LBB2_30:
.Ltmp61:
0x2a3: {  	(pc) =	sbr.rel .LBB2_35-.Ltmp61, $2  }
0x2a4: {  	_ =	sdelay $0x2  }
0x2a5: {  	s23 =	simm.s32 $0x0;
	s21 =	simm.s32 $0x0;
	p4 =	por $0x0, $0x0  }
.LBB2_36:
.Ltmp62:
0x2a6: {  	s21 =	rddreg [dreg:$0xf];
	(pc) =	sbr.rel .LBB2_41-.Ltmp62, $4  }
0x2a7: {  	s19 =	rddreg [dreg:$0x11]  }
0x2a8: {  	s1 =	simm.s32 $0x0;
	s10 =	simm.s32 $0x0;
	s20 =	rddreg [dreg:$0x19]  }
0x2a9: {  	s13 =	simm.s32 $0x0;
	s9 =	smov.u32 s18;
	s22 =	rddreg [dreg:$0x1b]  }
0x2aa: {  	p3 =	por p1, p1;
	s12 =	smov.u32 s16;
	s23 =	sld [smem:$0x7F4]  }
.LBB2_72:
.Ltmp63:
0x2ab: {  	(pc) =	sbr.rel .LBB2_74-.Ltmp63, $2  }
0x2ac: {  	_ =	sdelay $0x2  }
0x2ad: {  	s10 =	sld [smem:$0x7FD]  }
.LBB2_8:
.Ltmp64:
0x2ae: {  	(pc) =	sbr.rel .LBB2_11-.Ltmp64, $2  }
0x2af: {  	_ =	sdelay $0x2  }
0x2b0: {  	s2 =	simm.s32 $0x6D80;
	s23 =	simm.s32 $0xFFFFFFFC;
	s28 =	simm.s32 $0xDF0  }
.LBB2_14:
.Ltmp65:
0x2b1: {  	(pc) =	sbr.rel .LBB2_17-.Ltmp65, $3  }
0x2b2: {  	_ =	sdelay $0x1  }
0x2b3: {  	s14 =	smov.u32 s13;
	s11 =	simm.s32 $0x6D80  }
0x2b4: {  	s16 =	simm.s32 $0xDE0;
	s22 =	smov.u32 s1;
	s19 =	smov.u32 s10  }
.LBB2_20:
.Ltmp66:
0x2b5: {  	(pc) =	sbr.rel .LBB2_23-.Ltmp66, $2  }
0x2b6: {  	_ =	sdelay $0x2  }
0x2b7: {  	s13 =	smov.u32 s17;
	s20 =	smov.u32 s18  }
.LBB2_26:
.Ltmp67:
0x2b8: {  	(pc) =	sbr.rel .LBB2_29-.Ltmp67, $2  }
0x2b9: {  	_ =	sdelay $0x2  }
0x2ba: {  	s16 =	smov.u32 s1;
	s11 =	simm.s32 $0x0;
	s30 =	smov.u32 s9  }
.LBB2_32:
.Ltmp68:
0x2bb: {  	(pc) =	sbr.rel .LBB2_35-.Ltmp68, $3  }
0x2bc: {  	_ =	sdelay $0x1  }
0x2bd: {  	s11 =	smov.u32 s24  }
0x2be: {  	s23 =	simm.s32 $0x0;
	s21 =	simm.s32 $0x0;
	s12 =	smov.u32 s13  }
.LBB2_38:
.Ltmp69:
0x2bf: {  	(pc) =	sbr.rel .LBB2_41-.Ltmp69, $4  }
0x2c0: {  	_ = 	snop  }
0x2c1: {  	s1 =	simm.s32 $0x0;
	s10 =	simm.s32 $0x0;
	s19 =	rddreg [dreg:$0x11]  }
0x2c2: {  	s13 =	simm.s32 $0x0;
	s9 =	smov.u32 s18;
	s20 =	rddreg [dreg:$0x19]  }
0x2c3: {  	p3 =	por p1, p1;
	s12 =	smov.u32 s16;
	s22 =	rddreg [dreg:$0x1b]  }
.LBB2_78:
0x2c4: {  	_ =	sfence.sel $0x180000  }
0x2c5: {  	[bflag:$0x0] =	sbarrier.arrive $0xFFFF  }
0x2c6: {  	_ =	strace $0x90000047  }
0x2c7: {  	s0 =	stileid.u32;
	[bflag:$0x2] =	sbarrier.arrive $0xFFFF  }
0x2c8: {  	p0 =	sne.s32 s0, $0x0;
	s0 =	rddreg [dreg:$0x2]  }
0x2c9: {  	s0 =	sadd.s32 @!p0 $0x100000, s0  }
0x2ca: {  	[sflag:s0] =	ssyncadd.tile.s32 @!p0 $0x1;
	_ =	shalt  }
.Lfunc_end2:
_tile_overlayer_lowered:
.L_overlay_start_2:
0x2cb: {  	(tag) =	ssettag $0x2  }
0x2cc: {  	s0 =	rddreg [dreg:$0x0];
	s2 =	stileid.u32  }
0x2cd: {  	s1 =	rddreg [dreg:$0x1];
	p0 =	sne.s32 s2, $0x0  }
0x2ce: {  	s3 =	rddreg [dreg:$0x2];
	[bflag:$0x3] =	sbarrier.arrive $0xFFFF;
	s2 =	simm.s32 @!p0 $0x1C02  }
0x2cf: {  	[timem:s3], [sflag:s2] =	dma.local @!p0 [hbm:s0], s1  }
0x2d0: {  	s0 =	simm.s32 @!p0 $0x2  }
0x2d1: {  	_ =	swait.ge @!p0 [sflag:s0], s1  }
0x2d2: {  	s1 =	ssub.s32 @!p0 $0x0, s1;
	[sflag:s0] =	ssyncset.done @!p0 $0x0  }
0x2d3: {  	[sflag:s0] =	ssyncadd.s32 @!p0 s1  }
0x2d4: {  	[bflag:$0x3] =	sbarrier.arrive $0xFFFF  }
0x2d5: {  	_ =	shalt  }

</sc_bundles>
